<compile_context>
chip_gen: v7x
topology: tpu7x:2x2x1
jax: 0.10.2.dev20260603
libtpu: 0.0.44.dev20260713+nightly
codegen_flags: <defaults>
</compile_context>

<pallas_src>
import functools

import jax
import jax.numpy as jnp
import numpy as np
from jax import lax
from jax.experimental import pallas as pl
from jax.experimental.pallas import tpu as pltpu
from jax.experimental.pallas import tpu_sc as plsc

NC = 2
NS = 16
L = 16
NW = NC * NS



def _mm_body(n, npad, x_ref, w_ref, o_ref):
    o_ref[:n] = jnp.dot(x_ref[...], w_ref[...],
                        preferred_element_type=jnp.float32)
    o_ref[n:] = jnp.zeros((npad - n, w_ref.shape[1]), jnp.float32)


def _colsum(p):
    ones = jnp.ones((p.shape[0], 1), jnp.float32)
    return lax.dot_general(p, ones, (((0,), (0,)), ((), ())),
                           preferred_element_type=jnp.float32)


def _prep_body(h2, degp_ref, xw_ref, dinv_ref, dinvr_ref, u_ref):
    deg = _colsum(degp_ref[...])
    dinv = lax.rsqrt(deg)
    dinv_ref[...] = dinv
    dinvr_ref[...] = dinv.T
    u_ref[...] = (xw_ref[:, :h2] * dinv).astype(jnp.bfloat16)


def _mid_body(npad, h2, acc_ref, xw_ref, dinv_ref, dinvr_ref, b1_ref, bf1_ref,
              w2a_ref, w2b_ref, bb_ref, v_ref, pre_ref):
    dinv = dinv_ref[...]
    h1 = jnp.maximum(dinv * (acc_ref[0] + acc_ref[1]).astype(jnp.float32)
                     + b1_ref[...], 0.0)
    hf = jnp.maximum(xw_ref[:, h2:] + bf1_ref[...], 0.0)
    sf = (jnp.dot(h1, w2a_ref[...], preferred_element_type=jnp.float32)
          + jnp.dot(hf, w2b_ref[...], preferred_element_type=jnp.float32))
    sft = sf.T
    v_ref[...] = (dinvr_ref[...] * sft[0:1]).reshape(npad)
    pre_ref[...] = sft[1:2] + bb_ref[...]


def _final_body(n, npad, p2_ref, dinvr_ref, pre_ref, o_ref):
    ones = jnp.ones((1, p2_ref.shape[0]), jnp.float32)
    tot = jnp.dot(ones, p2_ref[...], preferred_element_type=jnp.float32)
    out = dinvr_ref[...] * tot + pre_ref[...]
    o_ref[...] = out[:, :n].reshape(n)



def _sc_scalar_body(cpt, npad, ei_hbm, v_hbm, out_hbm,
                    src_v, dst_v, v_v, acc_v):
    c = lax.axis_index("c")
    s = lax.axis_index("s")
    wid = s * NC + c
    pltpu.sync_copy(ei_hbm.at[0, wid], src_v)
    pltpu.sync_copy(ei_hbm.at[1, wid], dst_v)
    pltpu.sync_copy(v_hbm, v_v)

    z16 = jnp.zeros((L,), jnp.float32)

    def zero_body(i, carry):
        for k in range(8):
            acc_v[pl.ds((i * 8 + k) * L, L)] = z16
        return carry

    lax.fori_loop(0, npad // (L * 8), zero_body, 0)

    def edge_body(r, carry):
        for k in range(128 // L):
            sidx = src_v[r, pl.ds(k * L, L)]
            didx = dst_v[r, pl.ds(k * L, L)]
            vals = plsc.load_gather(v_v, [sidx])
            plsc.addupdate_scatter(acc_v, [didx], vals)
        return carry

    lax.fori_loop(0, cpt, edge_body, 0)
    pltpu.sync_copy(acc_v, out_hbm.at[wid])


def _sc_deg_body(cpt, npad, ei_hbm, out_hbm, dst_v, acc_v):
    c = lax.axis_index("c")
    s = lax.axis_index("s")
    wid = s * NC + c
    pltpu.sync_copy(ei_hbm.at[1, wid], dst_v)

    z16 = jnp.zeros((L,), jnp.float32)
    one16 = jnp.ones((L,), jnp.float32)

    def zero_body(i, carry):
        for k in range(8):
            acc_v[pl.ds((i * 8 + k) * L, L)] = z16
        return carry

    lax.fori_loop(0, npad // (L * 8), zero_body, 0)

    def edge_body(r, carry):
        for k in range(128 // L):
            didx = dst_v[r, pl.ds(k * L, L)]
            plsc.addupdate_scatter(acc_v, [didx], one16)
        return carry

    lax.fori_loop(0, cpt, edge_body, 0)
    pltpu.sync_copy(acc_v, out_hbm.at[wid])


def _sc_rows_body(cpt, npad, h2, ei_hbm, u_hbm, out_hbm, src_v, dst_v, rows_v,
                  acc_sh, g0, g1, g2, g3, s0, s1, s2, s3):
    c = lax.axis_index("c")
    s = lax.axis_index("s")
    wid = s * NC + c
    rpt = npad // NS
    gsem = (g0, g1, g2, g3)
    ssem = (s0, s1, s2, s3)

    z32 = jnp.zeros((2 * L,), jnp.bfloat16)

    def zero_body(r, carry):
        for k in range(h2 // (2 * L)):
            rows_v[0, r, pl.ds(k * 2 * L, 2 * L)] = z32
        return carry

    lax.fori_loop(0, 128, zero_body, 0)
    for q in range(rpt // 128):
        pltpu.sync_copy(rows_v.at[0], acc_sh.at[pl.ds(s * rpt + q * 128, 128)])
    plsc.subcore_barrier()

    pltpu.sync_copy(ei_hbm.at[0, wid], src_v)
    pltpu.sync_copy(ei_hbm.at[1, wid], dst_v)

    for b in range(4):
        pltpu.async_copy(u_hbm.at[src_v.at[b]], rows_v.at[b], gsem[b])

    def chunk_body(j4, carry):
        for b in range(4):
            j = 4 * j4 + b
            pltpu.make_async_copy(u_hbm.at[src_v.at[j]], rows_v.at[b],
                                  gsem[b]).wait()
            pltpu.async_copy(rows_v.at[b], acc_sh.at[dst_v.at[j]], ssem[b],
                             add=True)

            @pl.when(j4 < cpt // 4 - 1)
            def _():
                pltpu.make_async_copy(rows_v.at[b], acc_sh.at[dst_v.at[j]],
                                      ssem[b]).wait()
                pltpu.async_copy(u_hbm.at[src_v.at[j + 4]], rows_v.at[b],
                                 gsem[b])
        return carry

    lax.fori_loop(0, cpt // 4, chunk_body, 0)
    for b in range(4):
        pltpu.make_async_copy(rows_v.at[b], acc_sh.at[dst_v.at[0]],
                              ssem[b]).wait()
    plsc.subcore_barrier()
    pltpu.sync_copy(acc_sh.at[pl.ds(s * rpt, rpt)],
                    out_hbm.at[c, pl.ds(s * rpt, rpt)])



def kernel(x, edge_index, W1, b1, Wf1, bf1, W2, b2, Wf2, bf2):
    n, d = x.shape
    e = edge_index.shape[1]
    h2 = W1.shape[1]
    h = 2 * h2

    npad = ((n + 255) // 256) * 256
    ne = e + npad
    ept = ((ne // NW + 511) // 512) * 512
    epad = ept * NW
    cpt = ept // 128

    tail = np.concatenate(
        [np.arange(npad, dtype=np.int32),
         n + (np.arange(epad - ne, dtype=np.int32) % 128)])
    ei_pad = jnp.concatenate(
        [edge_index, jnp.asarray(np.tile(tail, (2, 1)))], axis=1)
    ei4 = ei_pad.reshape(2, NW, -1, 128)
    wc = jnp.concatenate([W1, Wf1], axis=1)
    w2c = jnp.concatenate([W2, Wf2], axis=1)

    f32 = jnp.float32
    bf16 = jnp.bfloat16
    mesh = plsc.VectorSubcoreMesh(core_axis_name="c", subcore_axis_name="s")

    sc_scalar = pl.kernel(
        functools.partial(_sc_scalar_body, cpt, npad),
        out_type=jax.ShapeDtypeStruct((NW, npad), f32),
        mesh=mesh,
        compiler_params=pltpu.CompilerParams(needs_layout_passes=False),
        scratch_types=[
            pltpu.VMEM((cpt, 128), jnp.int32),
            pltpu.VMEM((cpt, 128), jnp.int32),
            pltpu.VMEM((npad,), f32),
            pltpu.VMEM((npad,), f32),
        ],
    )

    sc_deg = pl.kernel(
        functools.partial(_sc_deg_body, cpt, npad),
        out_type=jax.ShapeDtypeStruct((NW, npad), f32),
        mesh=mesh,
        compiler_params=pltpu.CompilerParams(needs_layout_passes=False),
        scratch_types=[
            pltpu.VMEM((cpt, 128), jnp.int32),
            pltpu.VMEM((npad,), f32),
        ],
    )

    sc_rows = pl.kernel(
        functools.partial(_sc_rows_body, cpt, npad, h2),
        out_type=jax.ShapeDtypeStruct((NC, npad, h2), bf16),
        mesh=mesh,
        compiler_params=pltpu.CompilerParams(needs_layout_passes=False,
                                             use_tc_tiling_on_sc=False),
        scratch_types=[
            pltpu.VMEM((cpt, 128), jnp.int32),
            pltpu.VMEM((cpt, 128), jnp.int32),
            pltpu.VMEM((4, 128, h2), bf16),
            pltpu.VMEM_SHARED((npad, h2), bf16),
        ] + [pltpu.SemaphoreType.DMA] * 8,
    )

    xw = pl.pallas_call(
        functools.partial(_mm_body, n, npad),
        out_shape=jax.ShapeDtypeStruct((npad, h), f32),
    )(x, wc)
    degp = sc_deg(ei4)

    dinv, dinvr, u = pl.pallas_call(
        functools.partial(_prep_body, h2),
        out_shape=(
            jax.ShapeDtypeStruct((npad, 1), f32),
            jax.ShapeDtypeStruct((1, npad), f32),
            jax.ShapeDtypeStruct((npad, h2), bf16),
        ),
    )(degp, xw)

    acc = sc_rows(ei4, u)

    v, pre = pl.pallas_call(
        functools.partial(_mid_body, npad, h2),
        out_shape=(
            jax.ShapeDtypeStruct((npad,), f32),
            jax.ShapeDtypeStruct((1, npad), f32),
        ),
    )(acc, xw, dinv, dinvr, b1.reshape(1, h2), bf1.reshape(1, h2),
      w2c[:h2], w2c[h2:], (b2 + bf2).reshape(1, 1))

    p2 = sc_scalar(ei4, v)

    out = pl.pallas_call(
        functools.partial(_final_body, n, npad),
        out_shape=jax.ShapeDtypeStruct((n,), f32),
    )(p2, dinvr, pre)
    return out

# --- scband reference (transcript-rebuilt; emitter-appended) ---
"""Pipeline reference for scband-sage-46574625358105 (READ-ONLY COPY).

The authoritative reference and input builder live on the scoring server;
editing this copy changes nothing except your own understanding.
"""

import jax, jax.numpy as jnp
import numpy as np

N = 10000
D = 128
H = 128  # hidden_size (even, so unchanged)
E = 320000


def _gcn_conv(x, edge_index, W, b):
    # PyG GCNConv: add self-loops, symmetric normalization, linear, scatter-add, bias
    num_nodes = x.shape[0]
    loop = jnp.arange(num_nodes, dtype=edge_index.dtype)
    src = jnp.concatenate([edge_index[0], loop])
    dst = jnp.concatenate([edge_index[1], loop])
    deg = jnp.zeros((num_nodes,), dtype=x.dtype).at[dst].add(1.0)
    dinv = jnp.where(deg > 0, deg ** -0.5, 0.0)
    norm = dinv[src] * dinv[dst]
    xw = x @ W
    msg = xw[src] * norm[:, None]
    out = jnp.zeros((num_nodes, W.shape[1]), dtype=x.dtype).at[dst].add(msg)
    return out + b


def setup_inputs(seed: int = 0) -> dict:
    key = jax.random.key(seed)
    ks = jax.random.split(key, 10)
    x = jax.random.normal(ks[0], (N, D), dtype=jnp.float32)
    edge_index = jax.random.randint(ks[1], (2, E), 0, N, dtype=jnp.int32)
    h2 = H // 2
    W1 = jax.random.normal(ks[2], (D, h2), dtype=jnp.float32) * (1.0 / np.sqrt(D))
    b1 = jnp.zeros((h2,), dtype=jnp.float32)
    Wf1 = jax.random.normal(ks[3], (D, h2), dtype=jnp.float32) * (1.0 / np.sqrt(D))
    bf1 = jnp.zeros((h2,), dtype=jnp.float32)
    W2 = jax.random.normal(ks[4], (H, 1), dtype=jnp.float32) * (1.0 / np.sqrt(H))
    b2 = jnp.zeros((1,), dtype=jnp.float32)
    Wf2 = jax.random.normal(ks[5], (H, 1), dtype=jnp.float32) * (1.0 / np.sqrt(H))
    bf2 = jnp.zeros((1,), dtype=jnp.float32)
    return {"x": x, "edge_index": edge_index, "W1": W1, "b1": b1, "Wf1": Wf1, "bf1": bf1, "W2": W2, "b2": b2, "Wf2": Wf2, "bf2": bf2}


def reference(x, edge_index, W1, b1, Wf1, bf1, W2, b2, Wf2, bf2):
    # conv1 + fc1, concat, relu, (dropout is identity in eval mode), conv2 + fc2
    h = jnp.concatenate([_gcn_conv(x, edge_index, W1, b1), x @ Wf1 + bf1], axis=1)
    h = jax.nn.relu(h)
    out = _gcn_conv(h, edge_index, W2, b2) + (h @ Wf2 + bf2)
    return out.reshape(-1)

if __name__ == "__main__":
    import jax
    _d = setup_inputs()
    print(jax.jit(kernel)(*tuple(_d.values())))

</pallas_src>

<mosaic_0001>
#map = affine_map<(d0, d1) -> (0, 0, 0, 0)>
#map1 = affine_map<(d0, d1) -> (0, 0)>
module attributes {stable_mosaic.version = 14 : i64} {
  func.func @_sc_deg_body(%arg0: i32, %arg1: i32, %arg2: memref<2x32x84x128xi32, #tpu.memory_space<hbm>>, %arg3: memref<32x10240xf32, #tpu.memory_space<hbm>>, %arg4: memref<84x128xi32, #tpu.memory_space<vmem>>, %arg5: memref<10240xf32, #tpu.memory_space<vmem>>) attributes {dimension_semantics = [#tpu.dimension_semantics<core_parallel>, #tpu.dimension_semantics<subcore_parallel>], iteration_bounds = array<i64: 2, 16>, scalar_prefetch = 0 : i64, scratch_operands = 2 : i64, tpu.core_type = #tpu.core_type<sc_vector_subcore>, window_params = [{transform_indices = #map}, {transform_indices = #map1}]} {
    %mul3A = arith.constant 2 : i32
    %mul3A_0 = arith.muli %arg1, %mul3A : i32
    %add3A = arith.addi %mul3A_0, %arg0 : i32
    %run_scoped3A = arith.constant 1 : i32
    "tpu.region"() ({
      %run_scoped3A_15 = tpu.sem_alloc : memref<!tpu.dma_semaphore, #tpu.memory_space<semaphore_mem>>
      %dma_start3A = arith.constant 0 : i32
      %dma_start3A_16 = arith.constant 0 : i32
      %dma_start3A_17 = tpu.memref_slice %arg2[%run_scoped3A, %add3A, %dma_start3A, %dma_start3A_16] : memref<2x32x84x128xi32, #tpu.memory_space<hbm>> -> memref<1x1x84x128xi32, #tpu.memory_space<hbm>>
      %dma_start3A_18 = tpu.memref_squeeze %dma_start3A_17 : memref<1x1x84x128xi32, #tpu.memory_space<hbm>> -> memref<84x128xi32, #tpu.memory_space<hbm>>
      %dma_start3A_19 = arith.constant 0 : i32
      %dma_start3A_20 = arith.constant 0 : i32
      %dma_start3A_21 = tpu.memref_slice %arg2[%run_scoped3A, %add3A, %dma_start3A_19, %dma_start3A_20] : memref<2x32x84x128xi32, #tpu.memory_space<hbm>> -> memref<1x1x84x128xi32, #tpu.memory_space<hbm>>
      %dma_start3A_22 = tpu.memref_squeeze %dma_start3A_21 : memref<1x1x84x128xi32, #tpu.memory_space<hbm>> -> memref<84x128xi32, #tpu.memory_space<hbm>>
      tpu.enqueue_dma source(%dma_start3A_22 : memref<84x128xi32, #tpu.memory_space<hbm>>) target(%arg4 : memref<84x128xi32, #tpu.memory_space<vmem>>) target_semaphore(%run_scoped3A_15 : memref<!tpu.dma_semaphore, #tpu.memory_space<semaphore_mem>>)
      %dma_wait3A = arith.constant 0 : i32
      %dma_wait3A_23 = arith.constant 0 : i32
      %dma_wait3A_24 = tpu.memref_slice %arg2[%run_scoped3A, %add3A, %dma_wait3A, %dma_wait3A_23] : memref<2x32x84x128xi32, #tpu.memory_space<hbm>> -> memref<1x1x84x128xi32, #tpu.memory_space<hbm>>
      %dma_wait3A_25 = tpu.memref_squeeze %dma_wait3A_24 : memref<1x1x84x128xi32, #tpu.memory_space<hbm>> -> memref<84x128xi32, #tpu.memory_space<hbm>>
      %dma_wait3A_26 = arith.constant 0 : i32
      %dma_wait3A_27 = arith.constant 0 : i32
      %dma_wait3A_28 = tpu.memref_slice %arg2[%run_scoped3A, %add3A, %dma_wait3A_26, %dma_wait3A_27] : memref<2x32x84x128xi32, #tpu.memory_space<hbm>> -> memref<1x1x84x128xi32, #tpu.memory_space<hbm>>
      %dma_wait3A_29 = tpu.memref_squeeze %dma_wait3A_28 : memref<1x1x84x128xi32, #tpu.memory_space<hbm>> -> memref<84x128xi32, #tpu.memory_space<hbm>>
      tpu.wait_dma2 semaphore(%run_scoped3A_15 : memref<!tpu.dma_semaphore, #tpu.memory_space<semaphore_mem>>) src(%dma_wait3A_29 : memref<84x128xi32, #tpu.memory_space<hbm>>) dst(%arg4 : memref<84x128xi32, #tpu.memory_space<vmem>>)
      tpu.yield
    }) : () -> ()
    %broadcast_in_dim3A = arith.constant 0.000000e+00 : f32
    %broadcast_in_dim3A_1 = vector.broadcast %broadcast_in_dim3A : f32 to vector<16xf32>
    %broadcast_in_dim3A_2 = arith.constant 1.000000e+00 : f32
    %broadcast_in_dim3A_3 = vector.broadcast %broadcast_in_dim3A_2 : f32 to vector<16xf32>
    %scan3A = arith.constant 0 : i32
    %scan3A_4 = arith.constant 0 : i32
    %scan3A_5 = arith.constant 80 : i32
    %scan3A_6 = arith.addi %scan3A_4, %scan3A_5 : i32
    %scan3A_7 = arith.constant 1 : i32
    scf.for %scan3A_15 = %scan3A_4 to %scan3A_6 step %scan3A_7  : i32 {
      %mul3A_16 = arith.constant 8 : i32
      %mul3A_17 = arith.muli %scan3A_15, %mul3A_16 : i32
      %add3A_18 = arith.constant 0 : i32
      %add3A_19 = arith.addi %mul3A_17, %add3A_18 : i32
      %mul3A_20 = arith.constant 16 : i32
      %mul3A_21 = arith.muli %add3A_19, %mul3A_20 : i32
      %swap3A = arith.index_cast %mul3A_21 : i32 to index
      %swap3A_22 = tpu.vector_load %arg5[%swap3A] {strides = array<i32>} : memref<10240xf32, #tpu.memory_space<vmem>>, vector<16xf32>,
      tpu.vector_store %arg5[%swap3A], %broadcast_in_dim3A_1 {strides = array<i32>} : memref<10240xf32, #tpu.memory_space<vmem>>, vector<16xf32>,
      %mul3A_23 = arith.constant 8 : i32
      %mul3A_24 = arith.muli %scan3A_15, %mul3A_23 : i32
      %add3A_25 = arith.constant 1 : i32
      %add3A_26 = arith.addi %mul3A_24, %add3A_25 : i32
      %mul3A_27 = arith.constant 16 : i32
      %mul3A_28 = arith.muli %add3A_26, %mul3A_27 : i32
      %swap3A_29 = arith.index_cast %mul3A_28 : i32 to index
      %swap3A_30 = tpu.vector_load %arg5[%swap3A_29] {strides = array<i32>} : memref<10240xf32, #tpu.memory_space<vmem>>, vector<16xf32>,
      tpu.vector_store %arg5[%swap3A_29], %broadcast_in_dim3A_1 {strides = array<i32>} : memref<10240xf32, #tpu.memory_space<vmem>>, vector<16xf32>,
      %mul3A_31 = arith.constant 8 : i32
      %mul3A_32 = arith.muli %scan3A_15, %mul3A_31 : i32
      %add3A_33 = arith.constant 2 : i32
      %add3A_34 = arith.addi %mul3A_32, %add3A_33 : i32
      %mul3A_35 = arith.constant 16 : i32
      %mul3A_36 = arith.muli %add3A_34, %mul3A_35 : i32
      %swap3A_37 = arith.index_cast %mul3A_36 : i32 to index
      %swap3A_38 = tpu.vector_load %arg5[%swap3A_37] {strides = array<i32>} : memref<10240xf32, #tpu.memory_space<vmem>>, vector<16xf32>,
      tpu.vector_store %arg5[%swap3A_37], %broadcast_in_dim3A_1 {strides = array<i32>} : memref<10240xf32, #tpu.memory_space<vmem>>, vector<16xf32>,
      %mul3A_39 = arith.constant 8 : i32
      %mul3A_40 = arith.muli %scan3A_15, %mul3A_39 : i32
      %add3A_41 = arith.constant 3 : i32
      %add3A_42 = arith.addi %mul3A_40, %add3A_41 : i32
      %mul3A_43 = arith.constant 16 : i32
      %mul3A_44 = arith.muli %add3A_42, %mul3A_43 : i32
      %swap3A_45 = arith.index_cast %mul3A_44 : i32 to index
      %swap3A_46 = tpu.vector_load %arg5[%swap3A_45] {strides = array<i32>} : memref<10240xf32, #tpu.memory_space<vmem>>, vector<16xf32>,
      tpu.vector_store %arg5[%swap3A_45], %broadcast_in_dim3A_1 {strides = array<i32>} : memref<10240xf32, #tpu.memory_space<vmem>>, vector<16xf32>,
      %mul3A_47 = arith.constant 8 : i32
      %mul3A_48 = arith.muli %scan3A_15, %mul3A_47 : i32
      %add3A_49 = arith.constant 4 : i32
      %add3A_50 = arith.addi %mul3A_48, %add3A_49 : i32
      %mul3A_51 = arith.constant 16 : i32
      %mul3A_52 = arith.muli %add3A_50, %mul3A_51 : i32
      %swap3A_53 = arith.index_cast %mul3A_52 : i32 to index
      %swap3A_54 = tpu.vector_load %arg5[%swap3A_53] {strides = array<i32>} : memref<10240xf32, #tpu.memory_space<vmem>>, vector<16xf32>,
      tpu.vector_store %arg5[%swap3A_53], %broadcast_in_dim3A_1 {strides = array<i32>} : memref<10240xf32, #tpu.memory_space<vmem>>, vector<16xf32>,
      %mul3A_55 = arith.constant 8 : i32
      %mul3A_56 = arith.muli %scan3A_15, %mul3A_55 : i32
      %add3A_57 = arith.constant 5 : i32
      %add3A_58 = arith.addi %mul3A_56, %add3A_57 : i32
      %mul3A_59 = arith.constant 16 : i32
      %mul3A_60 = arith.muli %add3A_58, %mul3A_59 : i32
      %swap3A_61 = arith.index_cast %mul3A_60 : i32 to index
      %swap3A_62 = tpu.vector_load %arg5[%swap3A_61] {strides = array<i32>} : memref<10240xf32, #tpu.memory_space<vmem>>, vector<16xf32>,
      tpu.vector_store %arg5[%swap3A_61], %broadcast_in_dim3A_1 {strides = array<i32>} : memref<10240xf32, #tpu.memory_space<vmem>>, vector<16xf32>,
      %mul3A_63 = arith.constant 8 : i32
      %mul3A_64 = arith.muli %scan3A_15, %mul3A_63 : i32
      %add3A_65 = arith.constant 6 : i32
      %add3A_66 = arith.addi %mul3A_64, %add3A_65 : i32
      %mul3A_67 = arith.constant 16 : i32
      %mul3A_68 = arith.muli %add3A_66, %mul3A_67 : i32
      %swap3A_69 = arith.index_cast %mul3A_68 : i32 to index
      %swap3A_70 = tpu.vector_load %arg5[%swap3A_69] {strides = array<i32>} : memref<10240xf32, #tpu.memory_space<vmem>>, vector<16xf32>,
      tpu.vector_store %arg5[%swap3A_69], %broadcast_in_dim3A_1 {strides = array<i32>} : memref<10240xf32, #tpu.memory_space<vmem>>, vector<16xf32>,
      %mul3A_71 = arith.constant 8 : i32
      %mul3A_72 = arith.muli %scan3A_15, %mul3A_71 : i32
      %add3A_73 = arith.constant 7 : i32
      %add3A_74 = arith.addi %mul3A_72, %add3A_73 : i32
      %mul3A_75 = arith.constant 16 : i32
      %mul3A_76 = arith.muli %add3A_74, %mul3A_75 : i32
      %swap3A_77 = arith.index_cast %mul3A_76 : i32 to index
      %swap3A_78 = tpu.vector_load %arg5[%swap3A_77] {strides = array<i32>} : memref<10240xf32, #tpu.memory_space<vmem>>, vector<16xf32>,
      tpu.vector_store %arg5[%swap3A_77], %broadcast_in_dim3A_1 {strides = array<i32>} : memref<10240xf32, #tpu.memory_space<vmem>>, vector<16xf32>,
    }
    %scan3A_8 = arith.constant 80 : i32
    %scan3A_9 = arith.constant 0 : i32
    %scan3A_10 = arith.constant 0 : i32
    %scan3A_11 = arith.constant 84 : i32
    %scan3A_12 = arith.addi %scan3A_10, %scan3A_11 : i32
    %scan3A_13 = arith.constant 1 : i32
    scf.for %scan3A_15 = %scan3A_10 to %scan3A_12 step %scan3A_13  : i32 {
      %get3A = arith.index_cast %scan3A_15 : i32 to index
      %get3A_16 = arith.constant 0 : index
      %get3A_17 = tpu.vector_load %arg4[%get3A, %get3A_16] {strides = array<i32>} : memref<84x128xi32, #tpu.memory_space<vmem>>, vector<16xi32>,
      tpu.vector_store_idx %arg5[%get3A_17], %broadcast_in_dim3A_3 {add = true} : memref<10240xf32, #tpu.memory_space<vmem>>[vector<16xi32>], vector<16xf32>,
      %get3A_18 = arith.index_cast %scan3A_15 : i32 to index
      %get3A_19 = arith.constant 16 : index
      %get3A_20 = tpu.vector_load %arg4[%get3A_18, %get3A_19] {strides = array<i32>} : memref<84x128xi32, #tpu.memory_space<vmem>>, vector<16xi32>,
      tpu.vector_store_idx %arg5[%get3A_20], %broadcast_in_dim3A_3 {add = true} : memref<10240xf32, #tpu.memory_space<vmem>>[vector<16xi32>], vector<16xf32>,
      %get3A_21 = arith.index_cast %scan3A_15 : i32 to index
      %get3A_22 = arith.constant 32 : index
      %get3A_23 = tpu.vector_load %arg4[%get3A_21, %get3A_22] {strides = array<i32>} : memref<84x128xi32, #tpu.memory_space<vmem>>, vector<16xi32>,
      tpu.vector_store_idx %arg5[%get3A_23], %broadcast_in_dim3A_3 {add = true} : memref<10240xf32, #tpu.memory_space<vmem>>[vector<16xi32>], vector<16xf32>,
      %get3A_24 = arith.index_cast %scan3A_15 : i32 to index
      %get3A_25 = arith.constant 48 : index
      %get3A_26 = tpu.vector_load %arg4[%get3A_24, %get3A_25] {strides = array<i32>} : memref<84x128xi32, #tpu.memory_space<vmem>>, vector<16xi32>,
      tpu.vector_store_idx %arg5[%get3A_26], %broadcast_in_dim3A_3 {add = true} : memref<10240xf32, #tpu.memory_space<vmem>>[vector<16xi32>], vector<16xf32>,
      %get3A_27 = arith.index_cast %scan3A_15 : i32 to index
      %get3A_28 = arith.constant 64 : index
      %get3A_29 = tpu.vector_load %arg4[%get3A_27, %get3A_28] {strides = array<i32>} : memref<84x128xi32, #tpu.memory_space<vmem>>, vector<16xi32>,
      tpu.vector_store_idx %arg5[%get3A_29], %broadcast_in_dim3A_3 {add = true} : memref<10240xf32, #tpu.memory_space<vmem>>[vector<16xi32>], vector<16xf32>,
      %get3A_30 = arith.index_cast %scan3A_15 : i32 to index
      %get3A_31 = arith.constant 80 : index
      %get3A_32 = tpu.vector_load %arg4[%get3A_30, %get3A_31] {strides = array<i32>} : memref<84x128xi32, #tpu.memory_space<vmem>>, vector<16xi32>,
      tpu.vector_store_idx %arg5[%get3A_32], %broadcast_in_dim3A_3 {add = true} : memref<10240xf32, #tpu.memory_space<vmem>>[vector<16xi32>], vector<16xf32>,
      %get3A_33 = arith.index_cast %scan3A_15 : i32 to index
      %get3A_34 = arith.constant 96 : index
      %get3A_35 = tpu.vector_load %arg4[%get3A_33, %get3A_34] {strides = array<i32>} : memref<84x128xi32, #tpu.memory_space<vmem>>, vector<16xi32>,
      tpu.vector_store_idx %arg5[%get3A_35], %broadcast_in_dim3A_3 {add = true} : memref<10240xf32, #tpu.memory_space<vmem>>[vector<16xi32>], vector<16xf32>,
      %get3A_36 = arith.index_cast %scan3A_15 : i32 to index
      %get3A_37 = arith.constant 112 : index
      %get3A_38 = tpu.vector_load %arg4[%get3A_36, %get3A_37] {strides = array<i32>} : memref<84x128xi32, #tpu.memory_space<vmem>>, vector<16xi32>,
      tpu.vector_store_idx %arg5[%get3A_38], %broadcast_in_dim3A_3 {add = true} : memref<10240xf32, #tpu.memory_space<vmem>>[vector<16xi32>], vector<16xf32>,
    }
    %scan3A_14 = arith.constant 84 : i32
    "tpu.region"() ({
      %run_scoped3A_15 = tpu.sem_alloc : memref<!tpu.dma_semaphore, #tpu.memory_space<semaphore_mem>>
      %dma_start3A = arith.constant 0 : i32
      %dma_start3A_16 = tpu.memref_slice %arg3[%add3A, %dma_start3A] : memref<32x10240xf32, #tpu.memory_space<hbm>> -> memref<1x10240xf32, #tpu.memory_space<hbm>>
      %dma_start3A_17 = tpu.memref_squeeze %dma_start3A_16 : memref<1x10240xf32, #tpu.memory_space<hbm>> -> memref<10240xf32, #tpu.memory_space<hbm>>
      %dma_start3A_18 = arith.constant 0 : i32
      %dma_start3A_19 = tpu.memref_slice %arg3[%add3A, %dma_start3A_18] : memref<32x10240xf32, #tpu.memory_space<hbm>> -> memref<1x10240xf32, #tpu.memory_space<hbm>>
      %dma_start3A_20 = tpu.memref_squeeze %dma_start3A_19 : memref<1x10240xf32, #tpu.memory_space<hbm>> -> memref<10240xf32, #tpu.memory_space<hbm>>
      tpu.enqueue_dma source(%arg5 : memref<10240xf32, #tpu.memory_space<vmem>>) target(%dma_start3A_20 : memref<10240xf32, #tpu.memory_space<hbm>>) target_semaphore(%run_scoped3A_15 : memref<!tpu.dma_semaphore, #tpu.memory_space<semaphore_mem>>)
      %dma_wait3A = arith.constant 0 : i32
      %dma_wait3A_21 = tpu.memref_slice %arg3[%add3A, %dma_wait3A] : memref<32x10240xf32, #tpu.memory_space<hbm>> -> memref<1x10240xf32, #tpu.memory_space<hbm>>
      %dma_wait3A_22 = tpu.memref_squeeze %dma_wait3A_21 : memref<1x10240xf32, #tpu.memory_space<hbm>> -> memref<10240xf32, #tpu.memory_space<hbm>>
      %dma_wait3A_23 = arith.constant 0 : i32
      %dma_wait3A_24 = tpu.memref_slice %arg3[%add3A, %dma_wait3A_23] : memref<32x10240xf32, #tpu.memory_space<hbm>> -> memref<1x10240xf32, #tpu.memory_space<hbm>>
      %dma_wait3A_25 = tpu.memref_squeeze %dma_wait3A_24 : memref<1x10240xf32, #tpu.memory_space<hbm>> -> memref<10240xf32, #tpu.memory_space<hbm>>
      tpu.wait_dma2 semaphore(%run_scoped3A_15 : memref<!tpu.dma_semaphore, #tpu.memory_space<semaphore_mem>>) src(%arg5 : memref<10240xf32, #tpu.memory_space<vmem>>) dst(%dma_wait3A_25 : memref<10240xf32, #tpu.memory_space<hbm>>)
      tpu.yield
    }) : () -> ()
    return
  }
}

#map = affine_map<(d0, d1) -> (0, 0, 0, 0)>
#map1 = affine_map<(d0, d1) -> (0, 0)>
#map2 = affine_map<(d0, d1) -> (0, 0, 0)>
module attributes {stable_mosaic.version = 14 : i64} {
  func.func @_sc_rows_body(%arg0: i32, %arg1: i32, %arg2: memref<2x32x84x128xi32, #tpu.memory_space<hbm>>, %arg3: memref<10240x64xbf16, #tpu.memory_space<hbm>>, %arg4: memref<2x10240x64xbf16, #tpu.memory_space<hbm>>, %arg5: memref<84x128xi32, #tpu.memory_space<vmem>>, %arg6: memref<84x128xi32, #tpu.memory_space<vmem>>, %arg7: memref<4x128x64xbf16, #tpu.memory_space<vmem>>, %arg8: memref<10240x64xbf16, #tpu.memory_space<vmem_shared>>, %arg9: memref<!tpu.dma_semaphore, #tpu.memory_space<semaphore_mem>>, %arg10: memref<!tpu.dma_semaphore, #tpu.memory_space<semaphore_mem>>, %arg11: memref<!tpu.dma_semaphore, #tpu.memory_space<semaphore_mem>>, %arg12: memref<!tpu.dma_semaphore, #tpu.memory_space<semaphore_mem>>, %arg13: memref<!tpu.dma_semaphore, #tpu.memory_space<semaphore_mem>>, %arg14: memref<!tpu.dma_semaphore, #tpu.memory_space<semaphore_mem>>, %arg15: memref<!tpu.dma_semaphore, #tpu.memory_space<semaphore_mem>>, %arg16: memref<!tpu.dma_semaphore, #tpu.memory_space<semaphore_mem>>) attributes {dimension_semantics = [#tpu.dimension_semantics<core_parallel>, #tpu.dimension_semantics<subcore_parallel>], iteration_bounds = array<i64: 2, 16>, scalar_prefetch = 0 : i64, scratch_operands = 12 : i64, tpu.core_type = #tpu.core_type<sc_vector_subcore>, window_params = [{transform_indices = #map}, {transform_indices = #map1}, {transform_indices = #map2}]} {
    %mul3A = arith.constant 2 : i32
    %mul3A_0 = arith.muli %arg1, %mul3A : i32
    %add3A = arith.addi %mul3A_0, %arg0 : i32
    %broadcast_in_dim3A = arith.constant 0.000000e+00 : bf16
    %broadcast_in_dim3A_1 = vector.broadcast %broadcast_in_dim3A : bf16 to vector<32xbf16>
    %scan3A = arith.constant 0 : i32
    %scan3A_2 = arith.constant 0 : i32
    %scan3A_3 = arith.constant 128 : i32
    %scan3A_4 = arith.addi %scan3A_2, %scan3A_3 : i32
    %scan3A_5 = arith.constant 1 : i32
    scf.for %scan3A_138 = %scan3A_2 to %scan3A_4 step %scan3A_5  : i32 {
      %swap3A = arith.constant 0 : i32
      %swap3A_139 = arith.index_cast %swap3A : i32 to index
      %swap3A_140 = arith.index_cast %scan3A_138 : i32 to index
      %swap3A_141 = arith.constant 0 : index
      %swap3A_142 = tpu.vector_load %arg7[%swap3A_139, %swap3A_140, %swap3A_141] {strides = array<i32>} : memref<4x128x64xbf16, #tpu.memory_space<vmem>>, vector<32xbf16>,
      tpu.vector_store %arg7[%swap3A_139, %swap3A_140, %swap3A_141], %broadcast_in_dim3A_1 {strides = array<i32>} : memref<4x128x64xbf16, #tpu.memory_space<vmem>>, vector<32xbf16>,
      %swap3A_143 = arith.constant 0 : i32
      %swap3A_144 = arith.index_cast %swap3A_143 : i32 to index
      %swap3A_145 = arith.index_cast %scan3A_138 : i32 to index
      %swap3A_146 = arith.constant 32 : index
      %swap3A_147 = tpu.vector_load %arg7[%swap3A_144, %swap3A_145, %swap3A_146] {strides = array<i32>} : memref<4x128x64xbf16, #tpu.memory_space<vmem>>, vector<32xbf16>,
      tpu.vector_store %arg7[%swap3A_144, %swap3A_145, %swap3A_146], %broadcast_in_dim3A_1 {strides = array<i32>} : memref<4x128x64xbf16, #tpu.memory_space<vmem>>, vector<32xbf16>,
    }
    %scan3A_6 = arith.constant 128 : i32
    %mul3A_7 = arith.constant 640 : i32
    %mul3A_8 = arith.muli %arg1, %mul3A_7 : i32
    %add3A_9 = arith.constant 0 : i32
    %add3A_10 = arith.addi %mul3A_8, %add3A_9 : i32
    %run_scoped3A = arith.constant 0 : i32
    "tpu.region"() ({
      %run_scoped3A_138 = tpu.sem_alloc : memref<!tpu.dma_semaphore, #tpu.memory_space<semaphore_mem>>
      %dma_start3A_139 = arith.constant 0 : i32
      %dma_start3A_140 = arith.constant 0 : i32
      %dma_start3A_141 = tpu.memref_slice %arg7[%run_scoped3A, %dma_start3A_139, %dma_start3A_140] : memref<4x128x64xbf16, #tpu.memory_space<vmem>> -> memref<1x128x64xbf16, #tpu.memory_space<vmem>>
      %dma_start3A_142 = tpu.memref_squeeze %dma_start3A_141 : memref<1x128x64xbf16, #tpu.memory_space<vmem>> -> memref<128x64xbf16, #tpu.memory_space<vmem>>
      %dma_start3A_143 = arith.constant 0 : i32
      %dma_start3A_144 = tpu.memref_slice %arg8[%add3A_10, %dma_start3A_143] : memref<10240x64xbf16, #tpu.memory_space<vmem_shared>> -> memref<128x64xbf16, #tpu.memory_space<vmem_shared>>
      %dma_start3A_145 = arith.constant 0 : i32
      %dma_start3A_146 = tpu.memref_slice %arg8[%add3A_10, %dma_start3A_145] : memref<10240x64xbf16, #tpu.memory_space<vmem_shared>> -> memref<128x64xbf16, #tpu.memory_space<vmem_shared>>
      %dma_start3A_147 = arith.constant 0 : i32
      %dma_start3A_148 = arith.constant 0 : i32
      %dma_start3A_149 = tpu.memref_slice %arg7[%run_scoped3A, %dma_start3A_147, %dma_start3A_148] : memref<4x128x64xbf16, #tpu.memory_space<vmem>> -> memref<1x128x64xbf16, #tpu.memory_space<vmem>>
      %dma_start3A_150 = tpu.memref_squeeze %dma_start3A_149 : memref<1x128x64xbf16, #tpu.memory_space<vmem>> -> memref<128x64xbf16, #tpu.memory_space<vmem>>
      tpu.enqueue_dma source(%dma_start3A_150 : memref<128x64xbf16, #tpu.memory_space<vmem>>) target(%dma_start3A_146 : memref<128x64xbf16, #tpu.memory_space<vmem_shared>>) target_semaphore(%run_scoped3A_138 : memref<!tpu.dma_semaphore, #tpu.memory_space<semaphore_mem>>)
      %dma_wait3A_151 = arith.constant 0 : i32
      %dma_wait3A_152 = arith.constant 0 : i32
      %dma_wait3A_153 = tpu.memref_slice %arg7[%run_scoped3A, %dma_wait3A_151, %dma_wait3A_152] : memref<4x128x64xbf16, #tpu.memory_space<vmem>> -> memref<1x128x64xbf16, #tpu.memory_space<vmem>>
      %dma_wait3A_154 = tpu.memref_squeeze %dma_wait3A_153 : memref<1x128x64xbf16, #tpu.memory_space<vmem>> -> memref<128x64xbf16, #tpu.memory_space<vmem>>
      %dma_wait3A_155 = arith.constant 0 : i32
      %dma_wait3A_156 = tpu.memref_slice %arg8[%add3A_10, %dma_wait3A_155] : memref<10240x64xbf16, #tpu.memory_space<vmem_shared>> -> memref<128x64xbf16, #tpu.memory_space<vmem_shared>>
      %dma_wait3A_157 = arith.constant 0 : i32
      %dma_wait3A_158 = tpu.memref_slice %arg8[%add3A_10, %dma_wait3A_157] : memref<10240x64xbf16, #tpu.memory_space<vmem_shared>> -> memref<128x64xbf16, #tpu.memory_space<vmem_shared>>
      %dma_wait3A_159 = arith.constant 0 : i32
      %dma_wait3A_160 = arith.constant 0 : i32
      %dma_wait3A_161 = tpu.memref_slice %arg7[%run_scoped3A, %dma_wait3A_159, %dma_wait3A_160] : memref<4x128x64xbf16, #tpu.memory_space<vmem>> -> memref<1x128x64xbf16, #tpu.memory_space<vmem>>
      %dma_wait3A_162 = tpu.memref_squeeze %dma_wait3A_161 : memref<1x128x64xbf16, #tpu.memory_space<vmem>> -> memref<128x64xbf16, #tpu.memory_space<vmem>>
      tpu.wait_dma2 semaphore(%run_scoped3A_138 : memref<!tpu.dma_semaphore, #tpu.memory_space<semaphore_mem>>) src(%dma_wait3A_162 : memref<128x64xbf16, #tpu.memory_space<vmem>>) dst(%dma_wait3A_158 : memref<128x64xbf16, #tpu.memory_space<vmem_shared>>)
      tpu.yield
    }) : () -> ()
    %mul3A_11 = arith.constant 640 : i32
    %mul3A_12 = arith.muli %arg1, %mul3A_11 : i32
    %add3A_13 = arith.constant 128 : i32
    %add3A_14 = arith.addi %mul3A_12, %add3A_13 : i32
    %run_scoped3A_15 = arith.constant 0 : i32
    "tpu.region"() ({
      %run_scoped3A_138 = tpu.sem_alloc : memref<!tpu.dma_semaphore, #tpu.memory_space<semaphore_mem>>
      %dma_start3A_139 = arith.constant 0 : i32
      %dma_start3A_140 = arith.constant 0 : i32
      %dma_start3A_141 = tpu.memref_slice %arg7[%run_scoped3A_15, %dma_start3A_139, %dma_start3A_140] : memref<4x128x64xbf16, #tpu.memory_space<vmem>> -> memref<1x128x64xbf16, #tpu.memory_space<vmem>>
      %dma_start3A_142 = tpu.memref_squeeze %dma_start3A_141 : memref<1x128x64xbf16, #tpu.memory_space<vmem>> -> memref<128x64xbf16, #tpu.memory_space<vmem>>
      %dma_start3A_143 = arith.constant 0 : i32
      %dma_start3A_144 = tpu.memref_slice %arg8[%add3A_14, %dma_start3A_143] : memref<10240x64xbf16, #tpu.memory_space<vmem_shared>> -> memref<128x64xbf16, #tpu.memory_space<vmem_shared>>
      %dma_start3A_145 = arith.constant 0 : i32
      %dma_start3A_146 = tpu.memref_slice %arg8[%add3A_14, %dma_start3A_145] : memref<10240x64xbf16, #tpu.memory_space<vmem_shared>> -> memref<128x64xbf16, #tpu.memory_space<vmem_shared>>
      %dma_start3A_147 = arith.constant 0 : i32
      %dma_start3A_148 = arith.constant 0 : i32
      %dma_start3A_149 = tpu.memref_slice %arg7[%run_scoped3A_15, %dma_start3A_147, %dma_start3A_148] : memref<4x128x64xbf16, #tpu.memory_space<vmem>> -> memref<1x128x64xbf16, #tpu.memory_space<vmem>>
      %dma_start3A_150 = tpu.memref_squeeze %dma_start3A_149 : memref<1x128x64xbf16, #tpu.memory_space<vmem>> -> memref<128x64xbf16, #tpu.memory_space<vmem>>
      tpu.enqueue_dma source(%dma_start3A_150 : memref<128x64xbf16, #tpu.memory_space<vmem>>) target(%dma_start3A_146 : memref<128x64xbf16, #tpu.memory_space<vmem_shared>>) target_semaphore(%run_scoped3A_138 : memref<!tpu.dma_semaphore, #tpu.memory_space<semaphore_mem>>)
      %dma_wait3A_151 = arith.constant 0 : i32
      %dma_wait3A_152 = arith.constant 0 : i32
      %dma_wait3A_153 = tpu.memref_slice %arg7[%run_scoped3A_15, %dma_wait3A_151, %dma_wait3A_152] : memref<4x128x64xbf16, #tpu.memory_space<vmem>> -> memref<1x128x64xbf16, #tpu.memory_space<vmem>>
      %dma_wait3A_154 = tpu.memref_squeeze %dma_wait3A_153 : memref<1x128x64xbf16, #tpu.memory_space<vmem>> -> memref<128x64xbf16, #tpu.memory_space<vmem>>
      %dma_wait3A_155 = arith.constant 0 : i32
      %dma_wait3A_156 = tpu.memref_slice %arg8[%add3A_14, %dma_wait3A_155] : memref<10240x64xbf16, #tpu.memory_space<vmem_shared>> -> memref<128x64xbf16, #tpu.memory_space<vmem_shared>>
      %dma_wait3A_157 = arith.constant 0 : i32
      %dma_wait3A_158 = tpu.memref_slice %arg8[%add3A_14, %dma_wait3A_157] : memref<10240x64xbf16, #tpu.memory_space<vmem_shared>> -> memref<128x64xbf16, #tpu.memory_space<vmem_shared>>
      %dma_wait3A_159 = arith.constant 0 : i32
      %dma_wait3A_160 = arith.constant 0 : i32
      %dma_wait3A_161 = tpu.memref_slice %arg7[%run_scoped3A_15, %dma_wait3A_159, %dma_wait3A_160] : memref<4x128x64xbf16, #tpu.memory_space<vmem>> -> memref<1x128x64xbf16, #tpu.memory_space<vmem>>
      %dma_wait3A_162 = tpu.memref_squeeze %dma_wait3A_161 : memref<1x128x64xbf16, #tpu.memory_space<vmem>> -> memref<128x64xbf16, #tpu.memory_space<vmem>>
      tpu.wait_dma2 semaphore(%run_scoped3A_138 : memref<!tpu.dma_semaphore, #tpu.memory_space<semaphore_mem>>) src(%dma_wait3A_162 : memref<128x64xbf16, #tpu.memory_space<vmem>>) dst(%dma_wait3A_158 : memref<128x64xbf16, #tpu.memory_space<vmem_shared>>)
      tpu.yield
    }) : () -> ()
    %mul3A_16 = arith.constant 640 : i32
    %mul3A_17 = arith.muli %arg1, %mul3A_16 : i32
    %add3A_18 = arith.constant 256 : i32
    %add3A_19 = arith.addi %mul3A_17, %add3A_18 : i32
    %run_scoped3A_20 = arith.constant 0 : i32
    "tpu.region"() ({
      %run_scoped3A_138 = tpu.sem_alloc : memref<!tpu.dma_semaphore, #tpu.memory_space<semaphore_mem>>
      %dma_start3A_139 = arith.constant 0 : i32
      %dma_start3A_140 = arith.constant 0 : i32
      %dma_start3A_141 = tpu.memref_slice %arg7[%run_scoped3A_20, %dma_start3A_139, %dma_start3A_140] : memref<4x128x64xbf16, #tpu.memory_space<vmem>> -> memref<1x128x64xbf16, #tpu.memory_space<vmem>>
      %dma_start3A_142 = tpu.memref_squeeze %dma_start3A_141 : memref<1x128x64xbf16, #tpu.memory_space<vmem>> -> memref<128x64xbf16, #tpu.memory_space<vmem>>
      %dma_start3A_143 = arith.constant 0 : i32
      %dma_start3A_144 = tpu.memref_slice %arg8[%add3A_19, %dma_start3A_143] : memref<10240x64xbf16, #tpu.memory_space<vmem_shared>> -> memref<128x64xbf16, #tpu.memory_space<vmem_shared>>
      %dma_start3A_145 = arith.constant 0 : i32
      %dma_start3A_146 = tpu.memref_slice %arg8[%add3A_19, %dma_start3A_145] : memref<10240x64xbf16, #tpu.memory_space<vmem_shared>> -> memref<128x64xbf16, #tpu.memory_space<vmem_shared>>
      %dma_start3A_147 = arith.constant 0 : i32
      %dma_start3A_148 = arith.constant 0 : i32
      %dma_start3A_149 = tpu.memref_slice %arg7[%run_scoped3A_20, %dma_start3A_147, %dma_start3A_148] : memref<4x128x64xbf16, #tpu.memory_space<vmem>> -> memref<1x128x64xbf16, #tpu.memory_space<vmem>>
      %dma_start3A_150 = tpu.memref_squeeze %dma_start3A_149 : memref<1x128x64xbf16, #tpu.memory_space<vmem>> -> memref<128x64xbf16, #tpu.memory_space<vmem>>
      tpu.enqueue_dma source(%dma_start3A_150 : memref<128x64xbf16, #tpu.memory_space<vmem>>) target(%dma_start3A_146 : memref<128x64xbf16, #tpu.memory_space<vmem_shared>>) target_semaphore(%run_scoped3A_138 : memref<!tpu.dma_semaphore, #tpu.memory_space<semaphore_mem>>)
      %dma_wait3A_151 = arith.constant 0 : i32
      %dma_wait3A_152 = arith.constant 0 : i32
      %dma_wait3A_153 = tpu.memref_slice %arg7[%run_scoped3A_20, %dma_wait3A_151, %dma_wait3A_152] : memref<4x128x64xbf16, #tpu.memory_space<vmem>> -> memref<1x128x64xbf16, #tpu.memory_space<vmem>>
      %dma_wait3A_154 = tpu.memref_squeeze %dma_wait3A_153 : memref<1x128x64xbf16, #tpu.memory_space<vmem>> -> memref<128x64xbf16, #tpu.memory_space<vmem>>
      %dma_wait3A_155 = arith.constant 0 : i32
      %dma_wait3A_156 = tpu.memref_slice %arg8[%add3A_19, %dma_wait3A_155] : memref<10240x64xbf16, #tpu.memory_space<vmem_shared>> -> memref<128x64xbf16, #tpu.memory_space<vmem_shared>>
      %dma_wait3A_157 = arith.constant 0 : i32
      %dma_wait3A_158 = tpu.memref_slice %arg8[%add3A_19, %dma_wait3A_157] : memref<10240x64xbf16, #tpu.memory_space<vmem_shared>> -> memref<128x64xbf16, #tpu.memory_space<vmem_shared>>
      %dma_wait3A_159 = arith.constant 0 : i32
      %dma_wait3A_160 = arith.constant 0 : i32
      %dma_wait3A_161 = tpu.memref_slice %arg7[%run_scoped3A_20, %dma_wait3A_159, %dma_wait3A_160] : memref<4x128x64xbf16, #tpu.memory_space<vmem>> -> memref<1x128x64xbf16, #tpu.memory_space<vmem>>
      %dma_wait3A_162 = tpu.memref_squeeze %dma_wait3A_161 : memref<1x128x64xbf16, #tpu.memory_space<vmem>> -> memref<128x64xbf16, #tpu.memory_space<vmem>>
      tpu.wait_dma2 semaphore(%run_scoped3A_138 : memref<!tpu.dma_semaphore, #tpu.memory_space<semaphore_mem>>) src(%dma_wait3A_162 : memref<128x64xbf16, #tpu.memory_space<vmem>>) dst(%dma_wait3A_158 : memref<128x64xbf16, #tpu.memory_space<vmem_shared>>)
      tpu.yield
    }) : () -> ()
    %mul3A_21 = arith.constant 640 : i32
    %mul3A_22 = arith.muli %arg1, %mul3A_21 : i32
    %add3A_23 = arith.constant 384 : i32
    %add3A_24 = arith.addi %mul3A_22, %add3A_23 : i32
    %run_scoped3A_25 = arith.constant 0 : i32
    "tpu.region"() ({
      %run_scoped3A_138 = tpu.sem_alloc : memref<!tpu.dma_semaphore, #tpu.memory_space<semaphore_mem>>
      %dma_start3A_139 = arith.constant 0 : i32
      %dma_start3A_140 = arith.constant 0 : i32
      %dma_start3A_141 = tpu.memref_slice %arg7[%run_scoped3A_25, %dma_start3A_139, %dma_start3A_140] : memref<4x128x64xbf16, #tpu.memory_space<vmem>> -> memref<1x128x64xbf16, #tpu.memory_space<vmem>>
      %dma_start3A_142 = tpu.memref_squeeze %dma_start3A_141 : memref<1x128x64xbf16, #tpu.memory_space<vmem>> -> memref<128x64xbf16, #tpu.memory_space<vmem>>
      %dma_start3A_143 = arith.constant 0 : i32
      %dma_start3A_144 = tpu.memref_slice %arg8[%add3A_24, %dma_start3A_143] : memref<10240x64xbf16, #tpu.memory_space<vmem_shared>> -> memref<128x64xbf16, #tpu.memory_space<vmem_shared>>
      %dma_start3A_145 = arith.constant 0 : i32
      %dma_start3A_146 = tpu.memref_slice %arg8[%add3A_24, %dma_start3A_145] : memref<10240x64xbf16, #tpu.memory_space<vmem_shared>> -> memref<128x64xbf16, #tpu.memory_space<vmem_shared>>
      %dma_start3A_147 = arith.constant 0 : i32
      %dma_start3A_148 = arith.constant 0 : i32
      %dma_start3A_149 = tpu.memref_slice %arg7[%run_scoped3A_25, %dma_start3A_147, %dma_start3A_148] : memref<4x128x64xbf16, #tpu.memory_space<vmem>> -> memref<1x128x64xbf16, #tpu.memory_space<vmem>>
      %dma_start3A_150 = tpu.memref_squeeze %dma_start3A_149 : memref<1x128x64xbf16, #tpu.memory_space<vmem>> -> memref<128x64xbf16, #tpu.memory_space<vmem>>
      tpu.enqueue_dma source(%dma_start3A_150 : memref<128x64xbf16, #tpu.memory_space<vmem>>) target(%dma_start3A_146 : memref<128x64xbf16, #tpu.memory_space<vmem_shared>>) target_semaphore(%run_scoped3A_138 : memref<!tpu.dma_semaphore, #tpu.memory_space<semaphore_mem>>)
      %dma_wait3A_151 = arith.constant 0 : i32
      %dma_wait3A_152 = arith.constant 0 : i32
      %dma_wait3A_153 = tpu.memref_slice %arg7[%run_scoped3A_25, %dma_wait3A_151, %dma_wait3A_152] : memref<4x128x64xbf16, #tpu.memory_space<vmem>> -> memref<1x128x64xbf16, #tpu.memory_space<vmem>>
      %dma_wait3A_154 = tpu.memref_squeeze %dma_wait3A_153 : memref<1x128x64xbf16, #tpu.memory_space<vmem>> -> memref<128x64xbf16, #tpu.memory_space<vmem>>
      %dma_wait3A_155 = arith.constant 0 : i32
      %dma_wait3A_156 = tpu.memref_slice %arg8[%add3A_24, %dma_wait3A_155] : memref<10240x64xbf16, #tpu.memory_space<vmem_shared>> -> memref<128x64xbf16, #tpu.memory_space<vmem_shared>>
      %dma_wait3A_157 = arith.constant 0 : i32
      %dma_wait3A_158 = tpu.memref_slice %arg8[%add3A_24, %dma_wait3A_157] : memref<10240x64xbf16, #tpu.memory_space<vmem_shared>> -> memref<128x64xbf16, #tpu.memory_space<vmem_shared>>
      %dma_wait3A_159 = arith.constant 0 : i32
      %dma_wait3A_160 = arith.constant 0 : i32
      %dma_wait3A_161 = tpu.memref_slice %arg7[%run_scoped3A_25, %dma_wait3A_159, %dma_wait3A_160] : memref<4x128x64xbf16, #tpu.memory_space<vmem>> -> memref<1x128x64xbf16, #tpu.memory_space<vmem>>
      %dma_wait3A_162 = tpu.memref_squeeze %dma_wait3A_161 : memref<1x128x64xbf16, #tpu.memory_space<vmem>> -> memref<128x64xbf16, #tpu.memory_space<vmem>>
      tpu.wait_dma2 semaphore(%run_scoped3A_138 : memref<!tpu.dma_semaphore, #tpu.memory_space<semaphore_mem>>) src(%dma_wait3A_162 : memref<128x64xbf16, #tpu.memory_space<vmem>>) dst(%dma_wait3A_158 : memref<128x64xbf16, #tpu.memory_space<vmem_shared>>)
      tpu.yield
    }) : () -> ()
    %mul3A_26 = arith.constant 640 : i32
    %mul3A_27 = arith.muli %arg1, %mul3A_26 : i32
    %add3A_28 = arith.constant 512 : i32
    %add3A_29 = arith.addi %mul3A_27, %add3A_28 : i32
    %run_scoped3A_30 = arith.constant 0 : i32
    "tpu.region"() ({
      %run_scoped3A_138 = tpu.sem_alloc : memref<!tpu.dma_semaphore, #tpu.memory_space<semaphore_mem>>
      %dma_start3A_139 = arith.constant 0 : i32
      %dma_start3A_140 = arith.constant 0 : i32
      %dma_start3A_141 = tpu.memref_slice %arg7[%run_scoped3A_30, %dma_start3A_139, %dma_start3A_140] : memref<4x128x64xbf16, #tpu.memory_space<vmem>> -> memref<1x128x64xbf16, #tpu.memory_space<vmem>>
      %dma_start3A_142 = tpu.memref_squeeze %dma_start3A_141 : memref<1x128x64xbf16, #tpu.memory_space<vmem>> -> memref<128x64xbf16, #tpu.memory_space<vmem>>
      %dma_start3A_143 = arith.constant 0 : i32
      %dma_start3A_144 = tpu.memref_slice %arg8[%add3A_29, %dma_start3A_143] : memref<10240x64xbf16, #tpu.memory_space<vmem_shared>> -> memref<128x64xbf16, #tpu.memory_space<vmem_shared>>
      %dma_start3A_145 = arith.constant 0 : i32
      %dma_start3A_146 = tpu.memref_slice %arg8[%add3A_29, %dma_start3A_145] : memref<10240x64xbf16, #tpu.memory_space<vmem_shared>> -> memref<128x64xbf16, #tpu.memory_space<vmem_shared>>
      %dma_start3A_147 = arith.constant 0 : i32
      %dma_start3A_148 = arith.constant 0 : i32
      %dma_start3A_149 = tpu.memref_slice %arg7[%run_scoped3A_30, %dma_start3A_147, %dma_start3A_148] : memref<4x128x64xbf16, #tpu.memory_space<vmem>> -> memref<1x128x64xbf16, #tpu.memory_space<vmem>>
      %dma_start3A_150 = tpu.memref_squeeze %dma_start3A_149 : memref<1x128x64xbf16, #tpu.memory_space<vmem>> -> memref<128x64xbf16, #tpu.memory_space<vmem>>
      tpu.enqueue_dma source(%dma_start3A_150 : memref<128x64xbf16, #tpu.memory_space<vmem>>) target(%dma_start3A_146 : memref<128x64xbf16, #tpu.memory_space<vmem_shared>>) target_semaphore(%run_scoped3A_138 : memref<!tpu.dma_semaphore, #tpu.memory_space<semaphore_mem>>)
      %dma_wait3A_151 = arith.constant 0 : i32
      %dma_wait3A_152 = arith.constant 0 : i32
      %dma_wait3A_153 = tpu.memref_slice %arg7[%run_scoped3A_30, %dma_wait3A_151, %dma_wait3A_152] : memref<4x128x64xbf16, #tpu.memory_space<vmem>> -> memref<1x128x64xbf16, #tpu.memory_space<vmem>>
      %dma_wait3A_154 = tpu.memref_squeeze %dma_wait3A_153 : memref<1x128x64xbf16, #tpu.memory_space<vmem>> -> memref<128x64xbf16, #tpu.memory_space<vmem>>
      %dma_wait3A_155 = arith.constant 0 : i32
      %dma_wait3A_156 = tpu.memref_slice %arg8[%add3A_29, %dma_wait3A_155] : memref<10240x64xbf16, #tpu.memory_space<vmem_shared>> -> memref<128x64xbf16, #tpu.memory_space<vmem_shared>>
      %dma_wait3A_157 = arith.constant 0 : i32
      %dma_wait3A_158 = tpu.memref_slice %arg8[%add3A_29, %dma_wait3A_157] : memref<10240x64xbf16, #tpu.memory_space<vmem_shared>> -> memref<128x64xbf16, #tpu.memory_space<vmem_shared>>
      %dma_wait3A_159 = arith.constant 0 : i32
      %dma_wait3A_160 = arith.constant 0 : i32
      %dma_wait3A_161 = tpu.memref_slice %arg7[%run_scoped3A_30, %dma_wait3A_159, %dma_wait3A_160] : memref<4x128x64xbf16, #tpu.memory_space<vmem>> -> memref<1x128x64xbf16, #tpu.memory_space<vmem>>
      %dma_wait3A_162 = tpu.memref_squeeze %dma_wait3A_161 : memref<1x128x64xbf16, #tpu.memory_space<vmem>> -> memref<128x64xbf16, #tpu.memory_space<vmem>>
      tpu.wait_dma2 semaphore(%run_scoped3A_138 : memref<!tpu.dma_semaphore, #tpu.memory_space<semaphore_mem>>) src(%dma_wait3A_162 : memref<128x64xbf16, #tpu.memory_space<vmem>>) dst(%dma_wait3A_158 : memref<128x64xbf16, #tpu.memory_space<vmem_shared>>)
      tpu.yield
    }) : () -> ()
    %barrier3A = arith.constant 0 : index
    tpu.barrier barrier_id(%barrier3A)
    %run_scoped3A_31 = arith.constant 0 : i32
    "tpu.region"() ({
      %run_scoped3A_138 = tpu.sem_alloc : memref<!tpu.dma_semaphore, #tpu.memory_space<semaphore_mem>>
      %dma_start3A_139 = arith.constant 0 : i32
      %dma_start3A_140 = arith.constant 0 : i32
      %dma_start3A_141 = tpu.memref_slice %arg2[%run_scoped3A_31, %add3A, %dma_start3A_139, %dma_start3A_140] : memref<2x32x84x128xi32, #tpu.memory_space<hbm>> -> memref<1x1x84x128xi32, #tpu.memory_space<hbm>>
      %dma_start3A_142 = tpu.memref_squeeze %dma_start3A_141 : memref<1x1x84x128xi32, #tpu.memory_space<hbm>> -> memref<84x128xi32, #tpu.memory_space<hbm>>
      %dma_start3A_143 = arith.constant 0 : i32
      %dma_start3A_144 = arith.constant 0 : i32
      %dma_start3A_145 = tpu.memref_slice %arg2[%run_scoped3A_31, %add3A, %dma_start3A_143, %dma_start3A_144] : memref<2x32x84x128xi32, #tpu.memory_space<hbm>> -> memref<1x1x84x128xi32, #tpu.memory_space<hbm>>
      %dma_start3A_146 = tpu.memref_squeeze %dma_start3A_145 : memref<1x1x84x128xi32, #tpu.memory_space<hbm>> -> memref<84x128xi32, #tpu.memory_space<hbm>>
      tpu.enqueue_dma source(%dma_start3A_146 : memref<84x128xi32, #tpu.memory_space<hbm>>) target(%arg5 : memref<84x128xi32, #tpu.memory_space<vmem>>) target_semaphore(%run_scoped3A_138 : memref<!tpu.dma_semaphore, #tpu.memory_space<semaphore_mem>>)
      %dma_wait3A_147 = arith.constant 0 : i32
      %dma_wait3A_148 = arith.constant 0 : i32
      %dma_wait3A_149 = tpu.memref_slice %arg2[%run_scoped3A_31, %add3A, %dma_wait3A_147, %dma_wait3A_148] : memref<2x32x84x128xi32, #tpu.memory_space<hbm>> -> memref<1x1x84x128xi32, #tpu.memory_space<hbm>>
      %dma_wait3A_150 = tpu.memref_squeeze %dma_wait3A_149 : memref<1x1x84x128xi32, #tpu.memory_space<hbm>> -> memref<84x128xi32, #tpu.memory_space<hbm>>
      %dma_wait3A_151 = arith.constant 0 : i32
      %dma_wait3A_152 = arith.constant 0 : i32
      %dma_wait3A_153 = tpu.memref_slice %arg2[%run_scoped3A_31, %add3A, %dma_wait3A_151, %dma_wait3A_152] : memref<2x32x84x128xi32, #tpu.memory_space<hbm>> -> memref<1x1x84x128xi32, #tpu.memory_space<hbm>>
      %dma_wait3A_154 = tpu.memref_squeeze %dma_wait3A_153 : memref<1x1x84x128xi32, #tpu.memory_space<hbm>> -> memref<84x128xi32, #tpu.memory_space<hbm>>
      tpu.wait_dma2 semaphore(%run_scoped3A_138 : memref<!tpu.dma_semaphore, #tpu.memory_space<semaphore_mem>>) src(%dma_wait3A_154 : memref<84x128xi32, #tpu.memory_space<hbm>>) dst(%arg5 : memref<84x128xi32, #tpu.memory_space<vmem>>)
      tpu.yield
    }) : () -> ()
    %run_scoped3A_32 = arith.constant 1 : i32
    "tpu.region"() ({
      %run_scoped3A_138 = tpu.sem_alloc : memref<!tpu.dma_semaphore, #tpu.memory_space<semaphore_mem>>
      %dma_start3A_139 = arith.constant 0 : i32
      %dma_start3A_140 = arith.constant 0 : i32
      %dma_start3A_141 = tpu.memref_slice %arg2[%run_scoped3A_32, %add3A, %dma_start3A_139, %dma_start3A_140] : memref<2x32x84x128xi32, #tpu.memory_space<hbm>> -> memref<1x1x84x128xi32, #tpu.memory_space<hbm>>
      %dma_start3A_142 = tpu.memref_squeeze %dma_start3A_141 : memref<1x1x84x128xi32, #tpu.memory_space<hbm>> -> memref<84x128xi32, #tpu.memory_space<hbm>>
      %dma_start3A_143 = arith.constant 0 : i32
      %dma_start3A_144 = arith.constant 0 : i32
      %dma_start3A_145 = tpu.memref_slice %arg2[%run_scoped3A_32, %add3A, %dma_start3A_143, %dma_start3A_144] : memref<2x32x84x128xi32, #tpu.memory_space<hbm>> -> memref<1x1x84x128xi32, #tpu.memory_space<hbm>>
      %dma_start3A_146 = tpu.memref_squeeze %dma_start3A_145 : memref<1x1x84x128xi32, #tpu.memory_space<hbm>> -> memref<84x128xi32, #tpu.memory_space<hbm>>
      tpu.enqueue_dma source(%dma_start3A_146 : memref<84x128xi32, #tpu.memory_space<hbm>>) target(%arg6 : memref<84x128xi32, #tpu.memory_space<vmem>>) target_semaphore(%run_scoped3A_138 : memref<!tpu.dma_semaphore, #tpu.memory_space<semaphore_mem>>)
      %dma_wait3A_147 = arith.constant 0 : i32
      %dma_wait3A_148 = arith.constant 0 : i32
      %dma_wait3A_149 = tpu.memref_slice %arg2[%run_scoped3A_32, %add3A, %dma_wait3A_147, %dma_wait3A_148] : memref<2x32x84x128xi32, #tpu.memory_space<hbm>> -> memref<1x1x84x128xi32, #tpu.memory_space<hbm>>
      %dma_wait3A_150 = tpu.memref_squeeze %dma_wait3A_149 : memref<1x1x84x128xi32, #tpu.memory_space<hbm>> -> memref<84x128xi32, #tpu.memory_space<hbm>>
      %dma_wait3A_151 = arith.constant 0 : i32
      %dma_wait3A_152 = arith.constant 0 : i32
      %dma_wait3A_153 = tpu.memref_slice %arg2[%run_scoped3A_32, %add3A, %dma_wait3A_151, %dma_wait3A_152] : memref<2x32x84x128xi32, #tpu.memory_space<hbm>> -> memref<1x1x84x128xi32, #tpu.memory_space<hbm>>
      %dma_wait3A_154 = tpu.memref_squeeze %dma_wait3A_153 : memref<1x1x84x128xi32, #tpu.memory_space<hbm>> -> memref<84x128xi32, #tpu.memory_space<hbm>>
      tpu.wait_dma2 semaphore(%run_scoped3A_138 : memref<!tpu.dma_semaphore, #tpu.memory_space<semaphore_mem>>) src(%dma_wait3A_154 : memref<84x128xi32, #tpu.memory_space<hbm>>) dst(%arg6 : memref<84x128xi32, #tpu.memory_space<vmem>>)
      tpu.yield
    }) : () -> ()
    %dma_start3A = arith.constant 0 : i32
    %dma_start3A_33 = arith.constant 0 : i32
    %dma_start3A_34 = arith.constant 0 : i32
    %dma_start3A_35 = arith.constant 0 : i32
    %dma_start3A_36 = tpu.memref_slice %arg7[%dma_start3A_33, %dma_start3A_34, %dma_start3A_35] : memref<4x128x64xbf16, #tpu.memory_space<vmem>> -> memref<1x128x64xbf16, #tpu.memory_space<vmem>>
    %dma_start3A_37 = tpu.memref_squeeze %dma_start3A_36 : memref<1x128x64xbf16, #tpu.memory_space<vmem>> -> memref<128x64xbf16, #tpu.memory_space<vmem>>
    %dma_start3A_38 = arith.constant 0 : i32
    %dma_start3A_39 = tpu.memref_slice %arg5[%dma_start3A, %dma_start3A_38] : memref<84x128xi32, #tpu.memory_space<vmem>> -> memref<1x128xi32, #tpu.memory_space<vmem>>
    %dma_start3A_40 = tpu.memref_squeeze %dma_start3A_39 : memref<1x128xi32, #tpu.memory_space<vmem>> -> memref<128xi32, #tpu.memory_space<vmem>>
    %dma_start3A_41 = arith.constant 0 : i32
    %dma_start3A_42 = arith.constant 0 : i32
    %dma_start3A_43 = tpu.memref_slice %arg3[%dma_start3A_41, %dma_start3A_42] : memref<10240x64xbf16, #tpu.memory_space<hbm>> -> memref<10240x64xbf16, #tpu.memory_space<hbm>>
    tpu.enqueue_indirect_dma source(%dma_start3A_43 : memref<10240x64xbf16, #tpu.memory_space<hbm>>) target(%dma_start3A_37 : memref<128x64xbf16, #tpu.memory_space<vmem>>) offsets(%dma_start3A_40 : memref<128xi32, #tpu.memory_space<vmem>>) semaphore(%arg9 : memref<!tpu.dma_semaphore, #tpu.memory_space<semaphore_mem>>)
    %dma_start3A_44 = arith.constant 1 : i32
    %dma_start3A_45 = arith.constant 1 : i32
    %dma_start3A_46 = arith.constant 0 : i32
    %dma_start3A_47 = arith.constant 0 : i32
    %dma_start3A_48 = tpu.memref_slice %arg7[%dma_start3A_45, %dma_start3A_46, %dma_start3A_47] : memref<4x128x64xbf16, #tpu.memory_space<vmem>> -> memref<1x128x64xbf16, #tpu.memory_space<vmem>>
    %dma_start3A_49 = tpu.memref_squeeze %dma_start3A_48 : memref<1x128x64xbf16, #tpu.memory_space<vmem>> -> memref<128x64xbf16, #tpu.memory_space<vmem>>
    %dma_start3A_50 = arith.constant 0 : i32
    %dma_start3A_51 = tpu.memref_slice %arg5[%dma_start3A_44, %dma_start3A_50] : memref<84x128xi32, #tpu.memory_space<vmem>> -> memref<1x128xi32, #tpu.memory_space<vmem>>
    %dma_start3A_52 = tpu.memref_squeeze %dma_start3A_51 : memref<1x128xi32, #tpu.memory_space<vmem>> -> memref<128xi32, #tpu.memory_space<vmem>>
    %dma_start3A_53 = arith.constant 0 : i32
    %dma_start3A_54 = arith.constant 0 : i32
    %dma_start3A_55 = tpu.memref_slice %arg3[%dma_start3A_53, %dma_start3A_54] : memref<10240x64xbf16, #tpu.memory_space<hbm>> -> memref<10240x64xbf16, #tpu.memory_space<hbm>>
    tpu.enqueue_indirect_dma source(%dma_start3A_55 : memref<10240x64xbf16, #tpu.memory_space<hbm>>) target(%dma_start3A_49 : memref<128x64xbf16, #tpu.memory_space<vmem>>) offsets(%dma_start3A_52 : memref<128xi32, #tpu.memory_space<vmem>>) semaphore(%arg10 : memref<!tpu.dma_semaphore, #tpu.memory_space<semaphore_mem>>)
    %dma_start3A_56 = arith.constant 2 : i32
    %dma_start3A_57 = arith.constant 2 : i32
    %dma_start3A_58 = arith.constant 0 : i32
    %dma_start3A_59 = arith.constant 0 : i32
    %dma_start3A_60 = tpu.memref_slice %arg7[%dma_start3A_57, %dma_start3A_58, %dma_start3A_59] : memref<4x128x64xbf16, #tpu.memory_space<vmem>> -> memref<1x128x64xbf16, #tpu.memory_space<vmem>>
    %dma_start3A_61 = tpu.memref_squeeze %dma_start3A_60 : memref<1x128x64xbf16, #tpu.memory_space<vmem>> -> memref<128x64xbf16, #tpu.memory_space<vmem>>
    %dma_start3A_62 = arith.constant 0 : i32
    %dma_start3A_63 = tpu.memref_slice %arg5[%dma_start3A_56, %dma_start3A_62] : memref<84x128xi32, #tpu.memory_space<vmem>> -> memref<1x128xi32, #tpu.memory_space<vmem>>
    %dma_start3A_64 = tpu.memref_squeeze %dma_start3A_63 : memref<1x128xi32, #tpu.memory_space<vmem>> -> memref<128xi32, #tpu.memory_space<vmem>>
    %dma_start3A_65 = arith.constant 0 : i32
    %dma_start3A_66 = arith.constant 0 : i32
    %dma_start3A_67 = tpu.memref_slice %arg3[%dma_start3A_65, %dma_start3A_66] : memref<10240x64xbf16, #tpu.memory_space<hbm>> -> memref<10240x64xbf16, #tpu.memory_space<hbm>>
    tpu.enqueue_indirect_dma source(%dma_start3A_67 : memref<10240x64xbf16, #tpu.memory_space<hbm>>) target(%dma_start3A_61 : memref<128x64xbf16, #tpu.memory_space<vmem>>) offsets(%dma_start3A_64 : memref<128xi32, #tpu.memory_space<vmem>>) semaphore(%arg11 : memref<!tpu.dma_semaphore, #tpu.memory_space<semaphore_mem>>)
    %dma_start3A_68 = arith.constant 3 : i32
    %dma_start3A_69 = arith.constant 3 : i32
    %dma_start3A_70 = arith.constant 0 : i32
    %dma_start3A_71 = arith.constant 0 : i32
    %dma_start3A_72 = tpu.memref_slice %arg7[%dma_start3A_69, %dma_start3A_70, %dma_start3A_71] : memref<4x128x64xbf16, #tpu.memory_space<vmem>> -> memref<1x128x64xbf16, #tpu.memory_space<vmem>>
    %dma_start3A_73 = tpu.memref_squeeze %dma_start3A_72 : memref<1x128x64xbf16, #tpu.memory_space<vmem>> -> memref<128x64xbf16, #tpu.memory_space<vmem>>
    %dma_start3A_74 = arith.constant 0 : i32
    %dma_start3A_75 = tpu.memref_slice %arg5[%dma_start3A_68, %dma_start3A_74] : memref<84x128xi32, #tpu.memory_space<vmem>> -> memref<1x128xi32, #tpu.memory_space<vmem>>
    %dma_start3A_76 = tpu.memref_squeeze %dma_start3A_75 : memref<1x128xi32, #tpu.memory_space<vmem>> -> memref<128xi32, #tpu.memory_space<vmem>>
    %dma_start3A_77 = arith.constant 0 : i32
    %dma_start3A_78 = arith.constant 0 : i32
    %dma_start3A_79 = tpu.memref_slice %arg3[%dma_start3A_77, %dma_start3A_78] : memref<10240x64xbf16, #tpu.memory_space<hbm>> -> memref<10240x64xbf16, #tpu.memory_space<hbm>>
    tpu.enqueue_indirect_dma source(%dma_start3A_79 : memref<10240x64xbf16, #tpu.memory_space<hbm>>) target(%dma_start3A_73 : memref<128x64xbf16, #tpu.memory_space<vmem>>) offsets(%dma_start3A_76 : memref<128xi32, #tpu.memory_space<vmem>>) semaphore(%arg12 : memref<!tpu.dma_semaphore, #tpu.memory_space<semaphore_mem>>)
    %scan3A_80 = arith.constant 0 : i32
    %scan3A_81 = arith.constant 0 : i32
    %scan3A_82 = arith.constant 21 : i32
    %scan3A_83 = arith.addi %scan3A_81, %scan3A_82 : i32
    %scan3A_84 = arith.constant 1 : i32
    scf.for %scan3A_138 = %scan3A_81 to %scan3A_83 step %scan3A_84  : i32 {
      %mul3A_139 = arith.constant 4 : i32
      %mul3A_140 = arith.muli %mul3A_139, %scan3A_138 : i32
      %add3A_141 = arith.constant 0 : i32
      %add3A_142 = arith.addi %mul3A_140, %add3A_141 : i32
      %dma_wait3A_143 = arith.constant 0 : i32
      %dma_wait3A_144 = arith.constant 0 : i32
      %dma_wait3A_145 = arith.constant 0 : i32
      %dma_wait3A_146 = tpu.memref_slice %arg7[%dma_wait3A_143, %dma_wait3A_144, %dma_wait3A_145] : memref<4x128x64xbf16, #tpu.memory_space<vmem>> -> memref<1x128x64xbf16, #tpu.memory_space<vmem>>
      %dma_wait3A_147 = tpu.memref_squeeze %dma_wait3A_146 : memref<1x128x64xbf16, #tpu.memory_space<vmem>> -> memref<128x64xbf16, #tpu.memory_space<vmem>>
      %dma_wait3A_148 = arith.constant 0 : i32
      %dma_wait3A_149 = tpu.memref_slice %arg5[%add3A_142, %dma_wait3A_148] : memref<84x128xi32, #tpu.memory_space<vmem>> -> memref<1x128xi32, #tpu.memory_space<vmem>>
      %dma_wait3A_150 = tpu.memref_squeeze %dma_wait3A_149 : memref<1x128xi32, #tpu.memory_space<vmem>> -> memref<128xi32, #tpu.memory_space<vmem>>
      %dma_wait3A_151 = arith.constant 0 : i32
      %dma_wait3A_152 = arith.constant 0 : i32
      %dma_wait3A_153 = tpu.memref_slice %arg3[%dma_wait3A_151, %dma_wait3A_152] : memref<10240x64xbf16, #tpu.memory_space<hbm>> -> memref<10240x64xbf16, #tpu.memory_space<hbm>>
      tpu.wait_indirect_dma semaphore(%arg9 : memref<!tpu.dma_semaphore, #tpu.memory_space<semaphore_mem>>) src(%dma_wait3A_153 : memref<10240x64xbf16, #tpu.memory_space<hbm>>) dst(%dma_wait3A_147 : memref<128x64xbf16, #tpu.memory_space<vmem>>)
      %dma_start3A_154 = arith.constant 0 : i32
      %dma_start3A_155 = arith.constant 0 : i32
      %dma_start3A_156 = arith.constant 0 : i32
      %dma_start3A_157 = tpu.memref_slice %arg7[%dma_start3A_154, %dma_start3A_155, %dma_start3A_156] : memref<4x128x64xbf16, #tpu.memory_space<vmem>> -> memref<1x128x64xbf16, #tpu.memory_space<vmem>>
      %dma_start3A_158 = tpu.memref_squeeze %dma_start3A_157 : memref<1x128x64xbf16, #tpu.memory_space<vmem>> -> memref<128x64xbf16, #tpu.memory_space<vmem>>
      %dma_start3A_159 = arith.constant 0 : i32
      %dma_start3A_160 = tpu.memref_slice %arg6[%add3A_142, %dma_start3A_159] : memref<84x128xi32, #tpu.memory_space<vmem>> -> memref<1x128xi32, #tpu.memory_space<vmem>>
      %dma_start3A_161 = tpu.memref_squeeze %dma_start3A_160 : memref<1x128xi32, #tpu.memory_space<vmem>> -> memref<128xi32, #tpu.memory_space<vmem>>
      %dma_start3A_162 = arith.constant 0 : i32
      %dma_start3A_163 = arith.constant 0 : i32
      %dma_start3A_164 = tpu.memref_slice %arg8[%dma_start3A_162, %dma_start3A_163] : memref<10240x64xbf16, #tpu.memory_space<vmem_shared>> -> memref<10240x64xbf16, #tpu.memory_space<vmem_shared>>
      tpu.enqueue_indirect_dma source(%dma_start3A_158 : memref<128x64xbf16, #tpu.memory_space<vmem>>) target(%dma_start3A_164 : memref<10240x64xbf16, #tpu.memory_space<vmem_shared>>) offsets(%dma_start3A_161 : memref<128xi32, #tpu.memory_space<vmem>>) semaphore(%arg13 : memref<!tpu.dma_semaphore, #tpu.memory_space<semaphore_mem>>) {add = true}
      %lt3A = arith.constant 20 : i32
      %lt3A_165 = arith.cmpi slt, %scan3A_138, %lt3A : i32
      %convert_element_type3A = arith.extui %lt3A_165 : i1 to i32
      %cond3A = arith.constant 0 : i32
      %cond3A_166 = arith.cmpi ne, %convert_element_type3A, %cond3A : i32
      scf.if %cond3A_166 {
        %dma_wait3A_260 = arith.constant 0 : i32
        %dma_wait3A_261 = arith.constant 0 : i32
        %dma_wait3A_262 = arith.constant 0 : i32
        %dma_wait3A_263 = tpu.memref_slice %arg7[%dma_wait3A_260, %dma_wait3A_261, %dma_wait3A_262] : memref<4x128x64xbf16, #tpu.memory_space<vmem>> -> memref<1x128x64xbf16, #tpu.memory_space<vmem>>
        %dma_wait3A_264 = tpu.memref_squeeze %dma_wait3A_263 : memref<1x128x64xbf16, #tpu.memory_space<vmem>> -> memref<128x64xbf16, #tpu.memory_space<vmem>>
        %dma_wait3A_265 = arith.constant 0 : i32
        %dma_wait3A_266 = tpu.memref_slice %arg6[%add3A_142, %dma_wait3A_265] : memref<84x128xi32, #tpu.memory_space<vmem>> -> memref<1x128xi32, #tpu.memory_space<vmem>>
        %dma_wait3A_267 = tpu.memref_squeeze %dma_wait3A_266 : memref<1x128xi32, #tpu.memory_space<vmem>> -> memref<128xi32, #tpu.memory_space<vmem>>
        %dma_wait3A_268 = arith.constant 0 : i32
        %dma_wait3A_269 = arith.constant 0 : i32
        %dma_wait3A_270 = tpu.memref_slice %arg8[%dma_wait3A_268, %dma_wait3A_269] : memref<10240x64xbf16, #tpu.memory_space<vmem_shared>> -> memref<10240x64xbf16, #tpu.memory_space<vmem_shared>>
        tpu.wait_indirect_dma semaphore(%arg13 : memref<!tpu.dma_semaphore, #tpu.memory_space<semaphore_mem>>) src(%dma_wait3A_264 : memref<128x64xbf16, #tpu.memory_space<vmem>>) dst(%dma_wait3A_270 : memref<10240x64xbf16, #tpu.memory_space<vmem_shared>>)
        %add3A_271 = arith.constant 4 : i32
        %add3A_272 = arith.addi %add3A_142, %add3A_271 : i32
        %dma_start3A_273 = arith.constant 0 : i32
        %dma_start3A_274 = arith.constant 0 : i32
        %dma_start3A_275 = arith.constant 0 : i32
        %dma_start3A_276 = tpu.memref_slice %arg7[%dma_start3A_273, %dma_start3A_274, %dma_start3A_275] : memref<4x128x64xbf16, #tpu.memory_space<vmem>> -> memref<1x128x64xbf16, #tpu.memory_space<vmem>>
        %dma_start3A_277 = tpu.memref_squeeze %dma_start3A_276 : memref<1x128x64xbf16, #tpu.memory_space<vmem>> -> memref<128x64xbf16, #tpu.memory_space<vmem>>
        %dma_start3A_278 = arith.constant 0 : i32
        %dma_start3A_279 = tpu.memref_slice %arg5[%add3A_272, %dma_start3A_278] : memref<84x128xi32, #tpu.memory_space<vmem>> -> memref<1x128xi32, #tpu.memory_space<vmem>>
        %dma_start3A_280 = tpu.memref_squeeze %dma_start3A_279 : memref<1x128xi32, #tpu.memory_space<vmem>> -> memref<128xi32, #tpu.memory_space<vmem>>
        %dma_start3A_281 = arith.constant 0 : i32
        %dma_start3A_282 = arith.constant 0 : i32
        %dma_start3A_283 = tpu.memref_slice %arg3[%dma_start3A_281, %dma_start3A_282] : memref<10240x64xbf16, #tpu.memory_space<hbm>> -> memref<10240x64xbf16, #tpu.memory_space<hbm>>
        tpu.enqueue_indirect_dma source(%dma_start3A_283 : memref<10240x64xbf16, #tpu.memory_space<hbm>>) target(%dma_start3A_277 : memref<128x64xbf16, #tpu.memory_space<vmem>>) offsets(%dma_start3A_280 : memref<128xi32, #tpu.memory_space<vmem>>) semaphore(%arg9 : memref<!tpu.dma_semaphore, #tpu.memory_space<semaphore_mem>>)
      } else {
      }
      %mul3A_167 = arith.constant 4 : i32
      %mul3A_168 = arith.muli %mul3A_167, %scan3A_138 : i32
      %add3A_169 = arith.constant 1 : i32
      %add3A_170 = arith.addi %mul3A_168, %add3A_169 : i32
      %dma_wait3A_171 = arith.constant 1 : i32
      %dma_wait3A_172 = arith.constant 0 : i32
      %dma_wait3A_173 = arith.constant 0 : i32
      %dma_wait3A_174 = tpu.memref_slice %arg7[%dma_wait3A_171, %dma_wait3A_172, %dma_wait3A_173] : memref<4x128x64xbf16, #tpu.memory_space<vmem>> -> memref<1x128x64xbf16, #tpu.memory_space<vmem>>
      %dma_wait3A_175 = tpu.memref_squeeze %dma_wait3A_174 : memref<1x128x64xbf16, #tpu.memory_space<vmem>> -> memref<128x64xbf16, #tpu.memory_space<vmem>>
      %dma_wait3A_176 = arith.constant 0 : i32
      %dma_wait3A_177 = tpu.memref_slice %arg5[%add3A_170, %dma_wait3A_176] : memref<84x128xi32, #tpu.memory_space<vmem>> -> memref<1x128xi32, #tpu.memory_space<vmem>>
      %dma_wait3A_178 = tpu.memref_squeeze %dma_wait3A_177 : memref<1x128xi32, #tpu.memory_space<vmem>> -> memref<128xi32, #tpu.memory_space<vmem>>
      %dma_wait3A_179 = arith.constant 0 : i32
      %dma_wait3A_180 = arith.constant 0 : i32
      %dma_wait3A_181 = tpu.memref_slice %arg3[%dma_wait3A_179, %dma_wait3A_180] : memref<10240x64xbf16, #tpu.memory_space<hbm>> -> memref<10240x64xbf16, #tpu.memory_space<hbm>>
      tpu.wait_indirect_dma semaphore(%arg10 : memref<!tpu.dma_semaphore, #tpu.memory_space<semaphore_mem>>) src(%dma_wait3A_181 : memref<10240x64xbf16, #tpu.memory_space<hbm>>) dst(%dma_wait3A_175 : memref<128x64xbf16, #tpu.memory_space<vmem>>)
      %dma_start3A_182 = arith.constant 1 : i32
      %dma_start3A_183 = arith.constant 0 : i32
      %dma_start3A_184 = arith.constant 0 : i32
      %dma_start3A_185 = tpu.memref_slice %arg7[%dma_start3A_182, %dma_start3A_183, %dma_start3A_184] : memref<4x128x64xbf16, #tpu.memory_space<vmem>> -> memref<1x128x64xbf16, #tpu.memory_space<vmem>>
      %dma_start3A_186 = tpu.memref_squeeze %dma_start3A_185 : memref<1x128x64xbf16, #tpu.memory_space<vmem>> -> memref<128x64xbf16, #tpu.memory_space<vmem>>
      %dma_start3A_187 = arith.constant 0 : i32
      %dma_start3A_188 = tpu.memref_slice %arg6[%add3A_170, %dma_start3A_187] : memref<84x128xi32, #tpu.memory_space<vmem>> -> memref<1x128xi32, #tpu.memory_space<vmem>>
      %dma_start3A_189 = tpu.memref_squeeze %dma_start3A_188 : memref<1x128xi32, #tpu.memory_space<vmem>> -> memref<128xi32, #tpu.memory_space<vmem>>
      %dma_start3A_190 = arith.constant 0 : i32
      %dma_start3A_191 = arith.constant 0 : i32
      %dma_start3A_192 = tpu.memref_slice %arg8[%dma_start3A_190, %dma_start3A_191] : memref<10240x64xbf16, #tpu.memory_space<vmem_shared>> -> memref<10240x64xbf16, #tpu.memory_space<vmem_shared>>
      tpu.enqueue_indirect_dma source(%dma_start3A_186 : memref<128x64xbf16, #tpu.memory_space<vmem>>) target(%dma_start3A_192 : memref<10240x64xbf16, #tpu.memory_space<vmem_shared>>) offsets(%dma_start3A_189 : memref<128xi32, #tpu.memory_space<vmem>>) semaphore(%arg14 : memref<!tpu.dma_semaphore, #tpu.memory_space<semaphore_mem>>) {add = true}
      %lt3A_193 = arith.constant 20 : i32
      %lt3A_194 = arith.cmpi slt, %scan3A_138, %lt3A_193 : i32
      %convert_element_type3A_195 = arith.extui %lt3A_194 : i1 to i32
      %cond3A_196 = arith.constant 0 : i32
      %cond3A_197 = arith.cmpi ne, %convert_element_type3A_195, %cond3A_196 : i32
      scf.if %cond3A_197 {
        %dma_wait3A_260 = arith.constant 1 : i32
        %dma_wait3A_261 = arith.constant 0 : i32
        %dma_wait3A_262 = arith.constant 0 : i32
        %dma_wait3A_263 = tpu.memref_slice %arg7[%dma_wait3A_260, %dma_wait3A_261, %dma_wait3A_262] : memref<4x128x64xbf16, #tpu.memory_space<vmem>> -> memref<1x128x64xbf16, #tpu.memory_space<vmem>>
        %dma_wait3A_264 = tpu.memref_squeeze %dma_wait3A_263 : memref<1x128x64xbf16, #tpu.memory_space<vmem>> -> memref<128x64xbf16, #tpu.memory_space<vmem>>
        %dma_wait3A_265 = arith.constant 0 : i32
        %dma_wait3A_266 = tpu.memref_slice %arg6[%add3A_170, %dma_wait3A_265] : memref<84x128xi32, #tpu.memory_space<vmem>> -> memref<1x128xi32, #tpu.memory_space<vmem>>
        %dma_wait3A_267 = tpu.memref_squeeze %dma_wait3A_266 : memref<1x128xi32, #tpu.memory_space<vmem>> -> memref<128xi32, #tpu.memory_space<vmem>>
        %dma_wait3A_268 = arith.constant 0 : i32
        %dma_wait3A_269 = arith.constant 0 : i32
        %dma_wait3A_270 = tpu.memref_slice %arg8[%dma_wait3A_268, %dma_wait3A_269] : memref<10240x64xbf16, #tpu.memory_space<vmem_shared>> -> memref<10240x64xbf16, #tpu.memory_space<vmem_shared>>
        tpu.wait_indirect_dma semaphore(%arg14 : memref<!tpu.dma_semaphore, #tpu.memory_space<semaphore_mem>>) src(%dma_wait3A_264 : memref<128x64xbf16, #tpu.memory_space<vmem>>) dst(%dma_wait3A_270 : memref<10240x64xbf16, #tpu.memory_space<vmem_shared>>)
        %add3A_271 = arith.constant 4 : i32
        %add3A_272 = arith.addi %add3A_170, %add3A_271 : i32
        %dma_start3A_273 = arith.constant 1 : i32
        %dma_start3A_274 = arith.constant 0 : i32
        %dma_start3A_275 = arith.constant 0 : i32
        %dma_start3A_276 = tpu.memref_slice %arg7[%dma_start3A_273, %dma_start3A_274, %dma_start3A_275] : memref<4x128x64xbf16, #tpu.memory_space<vmem>> -> memref<1x128x64xbf16, #tpu.memory_space<vmem>>
        %dma_start3A_277 = tpu.memref_squeeze %dma_start3A_276 : memref<1x128x64xbf16, #tpu.memory_space<vmem>> -> memref<128x64xbf16, #tpu.memory_space<vmem>>
        %dma_start3A_278 = arith.constant 0 : i32
        %dma_start3A_279 = tpu.memref_slice %arg5[%add3A_272, %dma_start3A_278] : memref<84x128xi32, #tpu.memory_space<vmem>> -> memref<1x128xi32, #tpu.memory_space<vmem>>
        %dma_start3A_280 = tpu.memref_squeeze %dma_start3A_279 : memref<1x128xi32, #tpu.memory_space<vmem>> -> memref<128xi32, #tpu.memory_space<vmem>>
        %dma_start3A_281 = arith.constant 0 : i32
        %dma_start3A_282 = arith.constant 0 : i32
        %dma_start3A_283 = tpu.memref_slice %arg3[%dma_start3A_281, %dma_start3A_282] : memref<10240x64xbf16, #tpu.memory_space<hbm>> -> memref<10240x64xbf16, #tpu.memory_space<hbm>>
        tpu.enqueue_indirect_dma source(%dma_start3A_283 : memref<10240x64xbf16, #tpu.memory_space<hbm>>) target(%dma_start3A_277 : memref<128x64xbf16, #tpu.memory_space<vmem>>) offsets(%dma_start3A_280 : memref<128xi32, #tpu.memory_space<vmem>>) semaphore(%arg10 : memref<!tpu.dma_semaphore, #tpu.memory_space<semaphore_mem>>)
      } else {
      }
      %mul3A_198 = arith.constant 4 : i32
      %mul3A_199 = arith.muli %mul3A_198, %scan3A_138 : i32
      %add3A_200 = arith.constant 2 : i32
      %add3A_201 = arith.addi %mul3A_199, %add3A_200 : i32
      %dma_wait3A_202 = arith.constant 2 : i32
      %dma_wait3A_203 = arith.constant 0 : i32
      %dma_wait3A_204 = arith.constant 0 : i32
      %dma_wait3A_205 = tpu.memref_slice %arg7[%dma_wait3A_202, %dma_wait3A_203, %dma_wait3A_204] : memref<4x128x64xbf16, #tpu.memory_space<vmem>> -> memref<1x128x64xbf16, #tpu.memory_space<vmem>>
      %dma_wait3A_206 = tpu.memref_squeeze %dma_wait3A_205 : memref<1x128x64xbf16, #tpu.memory_space<vmem>> -> memref<128x64xbf16, #tpu.memory_space<vmem>>
      %dma_wait3A_207 = arith.constant 0 : i32
      %dma_wait3A_208 = tpu.memref_slice %arg5[%add3A_201, %dma_wait3A_207] : memref<84x128xi32, #tpu.memory_space<vmem>> -> memref<1x128xi32, #tpu.memory_space<vmem>>
      %dma_wait3A_209 = tpu.memref_squeeze %dma_wait3A_208 : memref<1x128xi32, #tpu.memory_space<vmem>> -> memref<128xi32, #tpu.memory_space<vmem>>
      %dma_wait3A_210 = arith.constant 0 : i32
      %dma_wait3A_211 = arith.constant 0 : i32
      %dma_wait3A_212 = tpu.memref_slice %arg3[%dma_wait3A_210, %dma_wait3A_211] : memref<10240x64xbf16, #tpu.memory_space<hbm>> -> memref<10240x64xbf16, #tpu.memory_space<hbm>>
      tpu.wait_indirect_dma semaphore(%arg11 : memref<!tpu.dma_semaphore, #tpu.memory_space<semaphore_mem>>) src(%dma_wait3A_212 : memref<10240x64xbf16, #tpu.memory_space<hbm>>) dst(%dma_wait3A_206 : memref<128x64xbf16, #tpu.memory_space<vmem>>)
      %dma_start3A_213 = arith.constant 2 : i32
      %dma_start3A_214 = arith.constant 0 : i32
      %dma_start3A_215 = arith.constant 0 : i32
      %dma_start3A_216 = tpu.memref_slice %arg7[%dma_start3A_213, %dma_start3A_214, %dma_start3A_215] : memref<4x128x64xbf16, #tpu.memory_space<vmem>> -> memref<1x128x64xbf16, #tpu.memory_space<vmem>>
      %dma_start3A_217 = tpu.memref_squeeze %dma_start3A_216 : memref<1x128x64xbf16, #tpu.memory_space<vmem>> -> memref<128x64xbf16, #tpu.memory_space<vmem>>
      %dma_start3A_218 = arith.constant 0 : i32
      %dma_start3A_219 = tpu.memref_slice %arg6[%add3A_201, %dma_start3A_218] : memref<84x128xi32, #tpu.memory_space<vmem>> -> memref<1x128xi32, #tpu.memory_space<vmem>>
      %dma_start3A_220 = tpu.memref_squeeze %dma_start3A_219 : memref<1x128xi32, #tpu.memory_space<vmem>> -> memref<128xi32, #tpu.memory_space<vmem>>
      %dma_start3A_221 = arith.constant 0 : i32
      %dma_start3A_222 = arith.constant 0 : i32
      %dma_start3A_223 = tpu.memref_slice %arg8[%dma_start3A_221, %dma_start3A_222] : memref<10240x64xbf16, #tpu.memory_space<vmem_shared>> -> memref<10240x64xbf16, #tpu.memory_space<vmem_shared>>
      tpu.enqueue_indirect_dma source(%dma_start3A_217 : memref<128x64xbf16, #tpu.memory_space<vmem>>) target(%dma_start3A_223 : memref<10240x64xbf16, #tpu.memory_space<vmem_shared>>) offsets(%dma_start3A_220 : memref<128xi32, #tpu.memory_space<vmem>>) semaphore(%arg15 : memref<!tpu.dma_semaphore, #tpu.memory_space<semaphore_mem>>) {add = true}
      %lt3A_224 = arith.constant 20 : i32
      %lt3A_225 = arith.cmpi slt, %scan3A_138, %lt3A_224 : i32
      %convert_element_type3A_226 = arith.extui %lt3A_225 : i1 to i32
      %cond3A_227 = arith.constant 0 : i32
      %cond3A_228 = arith.cmpi ne, %convert_element_type3A_226, %cond3A_227 : i32
      scf.if %cond3A_228 {
        %dma_wait3A_260 = arith.constant 2 : i32
        %dma_wait3A_261 = arith.constant 0 : i32
        %dma_wait3A_262 = arith.constant 0 : i32
        %dma_wait3A_263 = tpu.memref_slice %arg7[%dma_wait3A_260, %dma_wait3A_261, %dma_wait3A_262] : memref<4x128x64xbf16, #tpu.memory_space<vmem>> -> memref<1x128x64xbf16, #tpu.memory_space<vmem>>
        %dma_wait3A_264 = tpu.memref_squeeze %dma_wait3A_263 : memref<1x128x64xbf16, #tpu.memory_space<vmem>> -> memref<128x64xbf16, #tpu.memory_space<vmem>>
        %dma_wait3A_265 = arith.constant 0 : i32
        %dma_wait3A_266 = tpu.memref_slice %arg6[%add3A_201, %dma_wait3A_265] : memref<84x128xi32, #tpu.memory_space<vmem>> -> memref<1x128xi32, #tpu.memory_space<vmem>>
        %dma_wait3A_267 = tpu.memref_squeeze %dma_wait3A_266 : memref<1x128xi32, #tpu.memory_space<vmem>> -> memref<128xi32, #tpu.memory_space<vmem>>
        %dma_wait3A_268 = arith.constant 0 : i32
        %dma_wait3A_269 = arith.constant 0 : i32
        %dma_wait3A_270 = tpu.memref_slice %arg8[%dma_wait3A_268, %dma_wait3A_269] : memref<10240x64xbf16, #tpu.memory_space<vmem_shared>> -> memref<10240x64xbf16, #tpu.memory_space<vmem_shared>>
        tpu.wait_indirect_dma semaphore(%arg15 : memref<!tpu.dma_semaphore, #tpu.memory_space<semaphore_mem>>) src(%dma_wait3A_264 : memref<128x64xbf16, #tpu.memory_space<vmem>>) dst(%dma_wait3A_270 : memref<10240x64xbf16, #tpu.memory_space<vmem_shared>>)
        %add3A_271 = arith.constant 4 : i32
        %add3A_272 = arith.addi %add3A_201, %add3A_271 : i32
        %dma_start3A_273 = arith.constant 2 : i32
        %dma_start3A_274 = arith.constant 0 : i32
        %dma_start3A_275 = arith.constant 0 : i32
        %dma_start3A_276 = tpu.memref_slice %arg7[%dma_start3A_273, %dma_start3A_274, %dma_start3A_275] : memref<4x128x64xbf16, #tpu.memory_space<vmem>> -> memref<1x128x64xbf16, #tpu.memory_space<vmem>>
        %dma_start3A_277 = tpu.memref_squeeze %dma_start3A_276 : memref<1x128x64xbf16, #tpu.memory_space<vmem>> -> memref<128x64xbf16, #tpu.memory_space<vmem>>
        %dma_start3A_278 = arith.constant 0 : i32
        %dma_start3A_279 = tpu.memref_slice %arg5[%add3A_272, %dma_start3A_278] : memref<84x128xi32, #tpu.memory_space<vmem>> -> memref<1x128xi32, #tpu.memory_space<vmem>>
        %dma_start3A_280 = tpu.memref_squeeze %dma_start3A_279 : memref<1x128xi32, #tpu.memory_space<vmem>> -> memref<128xi32, #tpu.memory_space<vmem>>
        %dma_start3A_281 = arith.constant 0 : i32
        %dma_start3A_282 = arith.constant 0 : i32
        %dma_start3A_283 = tpu.memref_slice %arg3[%dma_start3A_281, %dma_start3A_282] : memref<10240x64xbf16, #tpu.memory_space<hbm>> -> memref<10240x64xbf16, #tpu.memory_space<hbm>>
        tpu.enqueue_indirect_dma source(%dma_start3A_283 : memref<10240x64xbf16, #tpu.memory_space<hbm>>) target(%dma_start3A_277 : memref<128x64xbf16, #tpu.memory_space<vmem>>) offsets(%dma_start3A_280 : memref<128xi32, #tpu.memory_space<vmem>>) semaphore(%arg11 : memref<!tpu.dma_semaphore, #tpu.memory_space<semaphore_mem>>)
      } else {
      }
      %mul3A_229 = arith.constant 4 : i32
      %mul3A_230 = arith.muli %mul3A_229, %scan3A_138 : i32
      %add3A_231 = arith.constant 3 : i32
      %add3A_232 = arith.addi %mul3A_230, %add3A_231 : i32
      %dma_wait3A_233 = arith.constant 3 : i32
      %dma_wait3A_234 = arith.constant 0 : i32
      %dma_wait3A_235 = arith.constant 0 : i32
      %dma_wait3A_236 = tpu.memref_slice %arg7[%dma_wait3A_233, %dma_wait3A_234, %dma_wait3A_235] : memref<4x128x64xbf16, #tpu.memory_space<vmem>> -> memref<1x128x64xbf16, #tpu.memory_space<vmem>>
      %dma_wait3A_237 = tpu.memref_squeeze %dma_wait3A_236 : memref<1x128x64xbf16, #tpu.memory_space<vmem>> -> memref<128x64xbf16, #tpu.memory_space<vmem>>
      %dma_wait3A_238 = arith.constant 0 : i32
      %dma_wait3A_239 = tpu.memref_slice %arg5[%add3A_232, %dma_wait3A_238] : memref<84x128xi32, #tpu.memory_space<vmem>> -> memref<1x128xi32, #tpu.memory_space<vmem>>
      %dma_wait3A_240 = tpu.memref_squeeze %dma_wait3A_239 : memref<1x128xi32, #tpu.memory_space<vmem>> -> memref<128xi32, #tpu.memory_space<vmem>>
      %dma_wait3A_241 = arith.constant 0 : i32
      %dma_wait3A_242 = arith.constant 0 : i32
      %dma_wait3A_243 = tpu.memref_slice %arg3[%dma_wait3A_241, %dma_wait3A_242] : memref<10240x64xbf16, #tpu.memory_space<hbm>> -> memref<10240x64xbf16, #tpu.memory_space<hbm>>
      tpu.wait_indirect_dma semaphore(%arg12 : memref<!tpu.dma_semaphore, #tpu.memory_space<semaphore_mem>>) src(%dma_wait3A_243 : memref<10240x64xbf16, #tpu.memory_space<hbm>>) dst(%dma_wait3A_237 : memref<128x64xbf16, #tpu.memory_space<vmem>>)
      %dma_start3A_244 = arith.constant 3 : i32
      %dma_start3A_245 = arith.constant 0 : i32
      %dma_start3A_246 = arith.constant 0 : i32
      %dma_start3A_247 = tpu.memref_slice %arg7[%dma_start3A_244, %dma_start3A_245, %dma_start3A_246] : memref<4x128x64xbf16, #tpu.memory_space<vmem>> -> memref<1x128x64xbf16, #tpu.memory_space<vmem>>
      %dma_start3A_248 = tpu.memref_squeeze %dma_start3A_247 : memref<1x128x64xbf16, #tpu.memory_space<vmem>> -> memref<128x64xbf16, #tpu.memory_space<vmem>>
      %dma_start3A_249 = arith.constant 0 : i32
      %dma_start3A_250 = tpu.memref_slice %arg6[%add3A_232, %dma_start3A_249] : memref<84x128xi32, #tpu.memory_space<vmem>> -> memref<1x128xi32, #tpu.memory_space<vmem>>
      %dma_start3A_251 = tpu.memref_squeeze %dma_start3A_250 : memref<1x128xi32, #tpu.memory_space<vmem>> -> memref<128xi32, #tpu.memory_space<vmem>>
      %dma_start3A_252 = arith.constant 0 : i32
      %dma_start3A_253 = arith.constant 0 : i32
      %dma_start3A_254 = tpu.memref_slice %arg8[%dma_start3A_252, %dma_start3A_253] : memref<10240x64xbf16, #tpu.memory_space<vmem_shared>> -> memref<10240x64xbf16, #tpu.memory_space<vmem_shared>>
      tpu.enqueue_indirect_dma source(%dma_start3A_248 : memref<128x64xbf16, #tpu.memory_space<vmem>>) target(%dma_start3A_254 : memref<10240x64xbf16, #tpu.memory_space<vmem_shared>>) offsets(%dma_start3A_251 : memref<128xi32, #tpu.memory_space<vmem>>) semaphore(%arg16 : memref<!tpu.dma_semaphore, #tpu.memory_space<semaphore_mem>>) {add = true}
      %lt3A_255 = arith.constant 20 : i32
      %lt3A_256 = arith.cmpi slt, %scan3A_138, %lt3A_255 : i32
      %convert_element_type3A_257 = arith.extui %lt3A_256 : i1 to i32
      %cond3A_258 = arith.constant 0 : i32
      %cond3A_259 = arith.cmpi ne, %convert_element_type3A_257, %cond3A_258 : i32
      scf.if %cond3A_259 {
        %dma_wait3A_260 = arith.constant 3 : i32
        %dma_wait3A_261 = arith.constant 0 : i32
        %dma_wait3A_262 = arith.constant 0 : i32
        %dma_wait3A_263 = tpu.memref_slice %arg7[%dma_wait3A_260, %dma_wait3A_261, %dma_wait3A_262] : memref<4x128x64xbf16, #tpu.memory_space<vmem>> -> memref<1x128x64xbf16, #tpu.memory_space<vmem>>
        %dma_wait3A_264 = tpu.memref_squeeze %dma_wait3A_263 : memref<1x128x64xbf16, #tpu.memory_space<vmem>> -> memref<128x64xbf16, #tpu.memory_space<vmem>>
        %dma_wait3A_265 = arith.constant 0 : i32
        %dma_wait3A_266 = tpu.memref_slice %arg6[%add3A_232, %dma_wait3A_265] : memref<84x128xi32, #tpu.memory_space<vmem>> -> memref<1x128xi32, #tpu.memory_space<vmem>>
        %dma_wait3A_267 = tpu.memref_squeeze %dma_wait3A_266 : memref<1x128xi32, #tpu.memory_space<vmem>> -> memref<128xi32, #tpu.memory_space<vmem>>
        %dma_wait3A_268 = arith.constant 0 : i32
        %dma_wait3A_269 = arith.constant 0 : i32
        %dma_wait3A_270 = tpu.memref_slice %arg8[%dma_wait3A_268, %dma_wait3A_269] : memref<10240x64xbf16, #tpu.memory_space<vmem_shared>> -> memref<10240x64xbf16, #tpu.memory_space<vmem_shared>>
        tpu.wait_indirect_dma semaphore(%arg16 : memref<!tpu.dma_semaphore, #tpu.memory_space<semaphore_mem>>) src(%dma_wait3A_264 : memref<128x64xbf16, #tpu.memory_space<vmem>>) dst(%dma_wait3A_270 : memref<10240x64xbf16, #tpu.memory_space<vmem_shared>>)
        %add3A_271 = arith.constant 4 : i32
        %add3A_272 = arith.addi %add3A_232, %add3A_271 : i32
        %dma_start3A_273 = arith.constant 3 : i32
        %dma_start3A_274 = arith.constant 0 : i32
        %dma_start3A_275 = arith.constant 0 : i32
        %dma_start3A_276 = tpu.memref_slice %arg7[%dma_start3A_273, %dma_start3A_274, %dma_start3A_275] : memref<4x128x64xbf16, #tpu.memory_space<vmem>> -> memref<1x128x64xbf16, #tpu.memory_space<vmem>>
        %dma_start3A_277 = tpu.memref_squeeze %dma_start3A_276 : memref<1x128x64xbf16, #tpu.memory_space<vmem>> -> memref<128x64xbf16, #tpu.memory_space<vmem>>
        %dma_start3A_278 = arith.constant 0 : i32
        %dma_start3A_279 = tpu.memref_slice %arg5[%add3A_272, %dma_start3A_278] : memref<84x128xi32, #tpu.memory_space<vmem>> -> memref<1x128xi32, #tpu.memory_space<vmem>>
        %dma_start3A_280 = tpu.memref_squeeze %dma_start3A_279 : memref<1x128xi32, #tpu.memory_space<vmem>> -> memref<128xi32, #tpu.memory_space<vmem>>
        %dma_start3A_281 = arith.constant 0 : i32
        %dma_start3A_282 = arith.constant 0 : i32
        %dma_start3A_283 = tpu.memref_slice %arg3[%dma_start3A_281, %dma_start3A_282] : memref<10240x64xbf16, #tpu.memory_space<hbm>> -> memref<10240x64xbf16, #tpu.memory_space<hbm>>
        tpu.enqueue_indirect_dma source(%dma_start3A_283 : memref<10240x64xbf16, #tpu.memory_space<hbm>>) target(%dma_start3A_277 : memref<128x64xbf16, #tpu.memory_space<vmem>>) offsets(%dma_start3A_280 : memref<128xi32, #tpu.memory_space<vmem>>) semaphore(%arg12 : memref<!tpu.dma_semaphore, #tpu.memory_space<semaphore_mem>>)
      } else {
      }
    }
    %scan3A_85 = arith.constant 21 : i32
    %dma_wait3A = arith.constant 0 : i32
    %dma_wait3A_86 = arith.constant 0 : i32
    %dma_wait3A_87 = arith.constant 0 : i32
    %dma_wait3A_88 = arith.constant 0 : i32
    %dma_wait3A_89 = tpu.memref_slice %arg7[%dma_wait3A, %dma_wait3A_87, %dma_wait3A_88] : memref<4x128x64xbf16, #tpu.memory_space<vmem>> -> memref<1x128x64xbf16, #tpu.memory_space<vmem>>
    %dma_wait3A_90 = tpu.memref_squeeze %dma_wait3A_89 : memref<1x128x64xbf16, #tpu.memory_space<vmem>> -> memref<128x64xbf16, #tpu.memory_space<vmem>>
    %dma_wait3A_91 = arith.constant 0 : i32
    %dma_wait3A_92 = tpu.memref_slice %arg6[%dma_wait3A_86, %dma_wait3A_91] : memref<84x128xi32, #tpu.memory_space<vmem>> -> memref<1x128xi32, #tpu.memory_space<vmem>>
    %dma_wait3A_93 = tpu.memref_squeeze %dma_wait3A_92 : memref<1x128xi32, #tpu.memory_space<vmem>> -> memref<128xi32, #tpu.memory_space<vmem>>
    %dma_wait3A_94 = arith.constant 0 : i32
    %dma_wait3A_95 = arith.constant 0 : i32
    %dma_wait3A_96 = tpu.memref_slice %arg8[%dma_wait3A_94, %dma_wait3A_95] : memref<10240x64xbf16, #tpu.memory_space<vmem_shared>> -> memref<10240x64xbf16, #tpu.memory_space<vmem_shared>>
    tpu.wait_indirect_dma semaphore(%arg13 : memref<!tpu.dma_semaphore, #tpu.memory_space<semaphore_mem>>) src(%dma_wait3A_90 : memref<128x64xbf16, #tpu.memory_space<vmem>>) dst(%dma_wait3A_96 : memref<10240x64xbf16, #tpu.memory_space<vmem_shared>>)
    %dma_wait3A_97 = arith.constant 1 : i32
    %dma_wait3A_98 = arith.constant 0 : i32
    %dma_wait3A_99 = arith.constant 0 : i32
    %dma_wait3A_100 = arith.constant 0 : i32
    %dma_wait3A_101 = tpu.memref_slice %arg7[%dma_wait3A_97, %dma_wait3A_99, %dma_wait3A_100] : memref<4x128x64xbf16, #tpu.memory_space<vmem>> -> memref<1x128x64xbf16, #tpu.memory_space<vmem>>
    %dma_wait3A_102 = tpu.memref_squeeze %dma_wait3A_101 : memref<1x128x64xbf16, #tpu.memory_space<vmem>> -> memref<128x64xbf16, #tpu.memory_space<vmem>>
    %dma_wait3A_103 = arith.constant 0 : i32
    %dma_wait3A_104 = tpu.memref_slice %arg6[%dma_wait3A_98, %dma_wait3A_103] : memref<84x128xi32, #tpu.memory_space<vmem>> -> memref<1x128xi32, #tpu.memory_space<vmem>>
    %dma_wait3A_105 = tpu.memref_squeeze %dma_wait3A_104 : memref<1x128xi32, #tpu.memory_space<vmem>> -> memref<128xi32, #tpu.memory_space<vmem>>
    %dma_wait3A_106 = arith.constant 0 : i32
    %dma_wait3A_107 = arith.constant 0 : i32
    %dma_wait3A_108 = tpu.memref_slice %arg8[%dma_wait3A_106, %dma_wait3A_107] : memref<10240x64xbf16, #tpu.memory_space<vmem_shared>> -> memref<10240x64xbf16, #tpu.memory_space<vmem_shared>>
    tpu.wait_indirect_dma semaphore(%arg14 : memref<!tpu.dma_semaphore, #tpu.memory_space<semaphore_mem>>) src(%dma_wait3A_102 : memref<128x64xbf16, #tpu.memory_space<vmem>>) dst(%dma_wait3A_108 : memref<10240x64xbf16, #tpu.memory_space<vmem_shared>>)
    %dma_wait3A_109 = arith.constant 2 : i32
    %dma_wait3A_110 = arith.constant 0 : i32
    %dma_wait3A_111 = arith.constant 0 : i32
    %dma_wait3A_112 = arith.constant 0 : i32
    %dma_wait3A_113 = tpu.memref_slice %arg7[%dma_wait3A_109, %dma_wait3A_111, %dma_wait3A_112] : memref<4x128x64xbf16, #tpu.memory_space<vmem>> -> memref<1x128x64xbf16, #tpu.memory_space<vmem>>
    %dma_wait3A_114 = tpu.memref_squeeze %dma_wait3A_113 : memref<1x128x64xbf16, #tpu.memory_space<vmem>> -> memref<128x64xbf16, #tpu.memory_space<vmem>>
    %dma_wait3A_115 = arith.constant 0 : i32
    %dma_wait3A_116 = tpu.memref_slice %arg6[%dma_wait3A_110, %dma_wait3A_115] : memref<84x128xi32, #tpu.memory_space<vmem>> -> memref<1x128xi32, #tpu.memory_space<vmem>>
    %dma_wait3A_117 = tpu.memref_squeeze %dma_wait3A_116 : memref<1x128xi32, #tpu.memory_space<vmem>> -> memref<128xi32, #tpu.memory_space<vmem>>
    %dma_wait3A_118 = arith.constant 0 : i32
    %dma_wait3A_119 = arith.constant 0 : i32
    %dma_wait3A_120 = tpu.memref_slice %arg8[%dma_wait3A_118, %dma_wait3A_119] : memref<10240x64xbf16, #tpu.memory_space<vmem_shared>> -> memref<10240x64xbf16, #tpu.memory_space<vmem_shared>>
    tpu.wait_indirect_dma semaphore(%arg15 : memref<!tpu.dma_semaphore, #tpu.memory_space<semaphore_mem>>) src(%dma_wait3A_114 : memref<128x64xbf16, #tpu.memory_space<vmem>>) dst(%dma_wait3A_120 : memref<10240x64xbf16, #tpu.memory_space<vmem_shared>>)
    %dma_wait3A_121 = arith.constant 3 : i32
    %dma_wait3A_122 = arith.constant 0 : i32
    %dma_wait3A_123 = arith.constant 0 : i32
    %dma_wait3A_124 = arith.constant 0 : i32
    %dma_wait3A_125 = tpu.memref_slice %arg7[%dma_wait3A_121, %dma_wait3A_123, %dma_wait3A_124] : memref<4x128x64xbf16, #tpu.memory_space<vmem>> -> memref<1x128x64xbf16, #tpu.memory_space<vmem>>
    %dma_wait3A_126 = tpu.memref_squeeze %dma_wait3A_125 : memref<1x128x64xbf16, #tpu.memory_space<vmem>> -> memref<128x64xbf16, #tpu.memory_space<vmem>>
    %dma_wait3A_127 = arith.constant 0 : i32
    %dma_wait3A_128 = tpu.memref_slice %arg6[%dma_wait3A_122, %dma_wait3A_127] : memref<84x128xi32, #tpu.memory_space<vmem>> -> memref<1x128xi32, #tpu.memory_space<vmem>>
    %dma_wait3A_129 = tpu.memref_squeeze %dma_wait3A_128 : memref<1x128xi32, #tpu.memory_space<vmem>> -> memref<128xi32, #tpu.memory_space<vmem>>
    %dma_wait3A_130 = arith.constant 0 : i32
    %dma_wait3A_131 = arith.constant 0 : i32
    %dma_wait3A_132 = tpu.memref_slice %arg8[%dma_wait3A_130, %dma_wait3A_131] : memref<10240x64xbf16, #tpu.memory_space<vmem_shared>> -> memref<10240x64xbf16, #tpu.memory_space<vmem_shared>>
    tpu.wait_indirect_dma semaphore(%arg16 : memref<!tpu.dma_semaphore, #tpu.memory_space<semaphore_mem>>) src(%dma_wait3A_126 : memref<128x64xbf16, #tpu.memory_space<vmem>>) dst(%dma_wait3A_132 : memref<10240x64xbf16, #tpu.memory_space<vmem_shared>>)
    %barrier3A_133 = arith.constant 0 : index
    tpu.barrier barrier_id(%barrier3A_133)
    %mul3A_134 = arith.constant 640 : i32
    %mul3A_135 = arith.muli %arg1, %mul3A_134 : i32
    %mul3A_136 = arith.constant 640 : i32
    %mul3A_137 = arith.muli %arg1, %mul3A_136 : i32
    "tpu.region"() ({
      %run_scoped3A_138 = tpu.sem_alloc : memref<!tpu.dma_semaphore, #tpu.memory_space<semaphore_mem>>
      %dma_start3A_139 = arith.constant 0 : i32
      %dma_start3A_140 = tpu.memref_slice %arg4[%arg0, %mul3A_137, %dma_start3A_139] : memref<2x10240x64xbf16, #tpu.memory_space<hbm>> -> memref<1x640x64xbf16, #tpu.memory_space<hbm>>
      %dma_start3A_141 = tpu.memref_squeeze %dma_start3A_140 : memref<1x640x64xbf16, #tpu.memory_space<hbm>> -> memref<640x64xbf16, #tpu.memory_space<hbm>>
      %dma_start3A_142 = arith.constant 0 : i32
      %dma_start3A_143 = tpu.memref_slice %arg8[%mul3A_135, %dma_start3A_142] : memref<10240x64xbf16, #tpu.memory_space<vmem_shared>> -> memref<640x64xbf16, #tpu.memory_space<vmem_shared>>
      tpu.enqueue_dma source(%dma_start3A_143 : memref<640x64xbf16, #tpu.memory_space<vmem_shared>>) target(%dma_start3A_141 : memref<640x64xbf16, #tpu.memory_space<hbm>>) target_semaphore(%run_scoped3A_138 : memref<!tpu.dma_semaphore, #tpu.memory_space<semaphore_mem>>)
      %dma_wait3A_144 = arith.constant 0 : i32
      %dma_wait3A_145 = tpu.memref_slice %arg4[%arg0, %mul3A_137, %dma_wait3A_144] : memref<2x10240x64xbf16, #tpu.memory_space<hbm>> -> memref<1x640x64xbf16, #tpu.memory_space<hbm>>
      %dma_wait3A_146 = tpu.memref_squeeze %dma_wait3A_145 : memref<1x640x64xbf16, #tpu.memory_space<hbm>> -> memref<640x64xbf16, #tpu.memory_space<hbm>>
      %dma_wait3A_147 = arith.constant 0 : i32
      %dma_wait3A_148 = tpu.memref_slice %arg8[%mul3A_135, %dma_wait3A_147] : memref<10240x64xbf16, #tpu.memory_space<vmem_shared>> -> memref<640x64xbf16, #tpu.memory_space<vmem_shared>>
      tpu.wait_dma2 semaphore(%run_scoped3A_138 : memref<!tpu.dma_semaphore, #tpu.memory_space<semaphore_mem>>) src(%dma_wait3A_148 : memref<640x64xbf16, #tpu.memory_space<vmem_shared>>) dst(%dma_wait3A_146 : memref<640x64xbf16, #tpu.memory_space<hbm>>)
      tpu.yield
    }) : () -> ()
    return
  }
}

#map = affine_map<(d0, d1) -> (0, 0, 0, 0)>
#map1 = affine_map<(d0, d1) -> (0)>
#map2 = affine_map<(d0, d1) -> (0, 0)>
module attributes {stable_mosaic.version = 14 : i64} {
  func.func @_sc_scalar_body(%arg0: i32, %arg1: i32, %arg2: memref<2x32x84x128xi32, #tpu.memory_space<hbm>>, %arg3: memref<10240xf32, #tpu.memory_space<hbm>>, %arg4: memref<32x10240xf32, #tpu.memory_space<hbm>>, %arg5: memref<84x128xi32, #tpu.memory_space<vmem>>, %arg6: memref<84x128xi32, #tpu.memory_space<vmem>>, %arg7: memref<10240xf32, #tpu.memory_space<vmem>>, %arg8: memref<10240xf32, #tpu.memory_space<vmem>>) attributes {dimension_semantics = [#tpu.dimension_semantics<core_parallel>, #tpu.dimension_semantics<subcore_parallel>], iteration_bounds = array<i64: 2, 16>, scalar_prefetch = 0 : i64, scratch_operands = 4 : i64, tpu.core_type = #tpu.core_type<sc_vector_subcore>, window_params = [{transform_indices = #map}, {transform_indices = #map1}, {transform_indices = #map2}]} {
    %mul3A = arith.constant 2 : i32
    %mul3A_0 = arith.muli %arg1, %mul3A : i32
    %add3A = arith.addi %mul3A_0, %arg0 : i32
    %run_scoped3A = arith.constant 0 : i32
    "tpu.region"() ({
      %run_scoped3A_14 = tpu.sem_alloc : memref<!tpu.dma_semaphore, #tpu.memory_space<semaphore_mem>>
      %dma_start3A = arith.constant 0 : i32
      %dma_start3A_15 = arith.constant 0 : i32
      %dma_start3A_16 = tpu.memref_slice %arg2[%run_scoped3A, %add3A, %dma_start3A, %dma_start3A_15] : memref<2x32x84x128xi32, #tpu.memory_space<hbm>> -> memref<1x1x84x128xi32, #tpu.memory_space<hbm>>
      %dma_start3A_17 = tpu.memref_squeeze %dma_start3A_16 : memref<1x1x84x128xi32, #tpu.memory_space<hbm>> -> memref<84x128xi32, #tpu.memory_space<hbm>>
      %dma_start3A_18 = arith.constant 0 : i32
      %dma_start3A_19 = arith.constant 0 : i32
      %dma_start3A_20 = tpu.memref_slice %arg2[%run_scoped3A, %add3A, %dma_start3A_18, %dma_start3A_19] : memref<2x32x84x128xi32, #tpu.memory_space<hbm>> -> memref<1x1x84x128xi32, #tpu.memory_space<hbm>>
      %dma_start3A_21 = tpu.memref_squeeze %dma_start3A_20 : memref<1x1x84x128xi32, #tpu.memory_space<hbm>> -> memref<84x128xi32, #tpu.memory_space<hbm>>
      tpu.enqueue_dma source(%dma_start3A_21 : memref<84x128xi32, #tpu.memory_space<hbm>>) target(%arg5 : memref<84x128xi32, #tpu.memory_space<vmem>>) target_semaphore(%run_scoped3A_14 : memref<!tpu.dma_semaphore, #tpu.memory_space<semaphore_mem>>)
      %dma_wait3A = arith.constant 0 : i32
      %dma_wait3A_22 = arith.constant 0 : i32
      %dma_wait3A_23 = tpu.memref_slice %arg2[%run_scoped3A, %add3A, %dma_wait3A, %dma_wait3A_22] : memref<2x32x84x128xi32, #tpu.memory_space<hbm>> -> memref<1x1x84x128xi32, #tpu.memory_space<hbm>>
      %dma_wait3A_24 = tpu.memref_squeeze %dma_wait3A_23 : memref<1x1x84x128xi32, #tpu.memory_space<hbm>> -> memref<84x128xi32, #tpu.memory_space<hbm>>
      %dma_wait3A_25 = arith.constant 0 : i32
      %dma_wait3A_26 = arith.constant 0 : i32
      %dma_wait3A_27 = tpu.memref_slice %arg2[%run_scoped3A, %add3A, %dma_wait3A_25, %dma_wait3A_26] : memref<2x32x84x128xi32, #tpu.memory_space<hbm>> -> memref<1x1x84x128xi32, #tpu.memory_space<hbm>>
      %dma_wait3A_28 = tpu.memref_squeeze %dma_wait3A_27 : memref<1x1x84x128xi32, #tpu.memory_space<hbm>> -> memref<84x128xi32, #tpu.memory_space<hbm>>
      tpu.wait_dma2 semaphore(%run_scoped3A_14 : memref<!tpu.dma_semaphore, #tpu.memory_space<semaphore_mem>>) src(%dma_wait3A_28 : memref<84x128xi32, #tpu.memory_space<hbm>>) dst(%arg5 : memref<84x128xi32, #tpu.memory_space<vmem>>)
      tpu.yield
    }) : () -> ()
    %run_scoped3A_1 = arith.constant 1 : i32
    "tpu.region"() ({
      %run_scoped3A_14 = tpu.sem_alloc : memref<!tpu.dma_semaphore, #tpu.memory_space<semaphore_mem>>
      %dma_start3A = arith.constant 0 : i32
      %dma_start3A_15 = arith.constant 0 : i32
      %dma_start3A_16 = tpu.memref_slice %arg2[%run_scoped3A_1, %add3A, %dma_start3A, %dma_start3A_15] : memref<2x32x84x128xi32, #tpu.memory_space<hbm>> -> memref<1x1x84x128xi32, #tpu.memory_space<hbm>>
      %dma_start3A_17 = tpu.memref_squeeze %dma_start3A_16 : memref<1x1x84x128xi32, #tpu.memory_space<hbm>> -> memref<84x128xi32, #tpu.memory_space<hbm>>
      %dma_start3A_18 = arith.constant 0 : i32
      %dma_start3A_19 = arith.constant 0 : i32
      %dma_start3A_20 = tpu.memref_slice %arg2[%run_scoped3A_1, %add3A, %dma_start3A_18, %dma_start3A_19] : memref<2x32x84x128xi32, #tpu.memory_space<hbm>> -> memref<1x1x84x128xi32, #tpu.memory_space<hbm>>
      %dma_start3A_21 = tpu.memref_squeeze %dma_start3A_20 : memref<1x1x84x128xi32, #tpu.memory_space<hbm>> -> memref<84x128xi32, #tpu.memory_space<hbm>>
      tpu.enqueue_dma source(%dma_start3A_21 : memref<84x128xi32, #tpu.memory_space<hbm>>) target(%arg6 : memref<84x128xi32, #tpu.memory_space<vmem>>) target_semaphore(%run_scoped3A_14 : memref<!tpu.dma_semaphore, #tpu.memory_space<semaphore_mem>>)
      %dma_wait3A = arith.constant 0 : i32
      %dma_wait3A_22 = arith.constant 0 : i32
      %dma_wait3A_23 = tpu.memref_slice %arg2[%run_scoped3A_1, %add3A, %dma_wait3A, %dma_wait3A_22] : memref<2x32x84x128xi32, #tpu.memory_space<hbm>> -> memref<1x1x84x128xi32, #tpu.memory_space<hbm>>
      %dma_wait3A_24 = tpu.memref_squeeze %dma_wait3A_23 : memref<1x1x84x128xi32, #tpu.memory_space<hbm>> -> memref<84x128xi32, #tpu.memory_space<hbm>>
      %dma_wait3A_25 = arith.constant 0 : i32
      %dma_wait3A_26 = arith.constant 0 : i32
      %dma_wait3A_27 = tpu.memref_slice %arg2[%run_scoped3A_1, %add3A, %dma_wait3A_25, %dma_wait3A_26] : memref<2x32x84x128xi32, #tpu.memory_space<hbm>> -> memref<1x1x84x128xi32, #tpu.memory_space<hbm>>
      %dma_wait3A_28 = tpu.memref_squeeze %dma_wait3A_27 : memref<1x1x84x128xi32, #tpu.memory_space<hbm>> -> memref<84x128xi32, #tpu.memory_space<hbm>>
      tpu.wait_dma2 semaphore(%run_scoped3A_14 : memref<!tpu.dma_semaphore, #tpu.memory_space<semaphore_mem>>) src(%dma_wait3A_28 : memref<84x128xi32, #tpu.memory_space<hbm>>) dst(%arg6 : memref<84x128xi32, #tpu.memory_space<vmem>>)
      tpu.yield
    }) : () -> ()
    "tpu.region"() ({
      %run_scoped3A_14 = tpu.sem_alloc : memref<!tpu.dma_semaphore, #tpu.memory_space<semaphore_mem>>
      tpu.enqueue_dma source(%arg3 : memref<10240xf32, #tpu.memory_space<hbm>>) target(%arg7 : memref<10240xf32, #tpu.memory_space<vmem>>) target_semaphore(%run_scoped3A_14 : memref<!tpu.dma_semaphore, #tpu.memory_space<semaphore_mem>>)
      tpu.wait_dma2 semaphore(%run_scoped3A_14 : memref<!tpu.dma_semaphore, #tpu.memory_space<semaphore_mem>>) src(%arg3 : memref<10240xf32, #tpu.memory_space<hbm>>) dst(%arg7 : memref<10240xf32, #tpu.memory_space<vmem>>)
      tpu.yield
    }) : () -> ()
    %broadcast_in_dim3A = arith.constant 0.000000e+00 : f32
    %broadcast_in_dim3A_2 = vector.broadcast %broadcast_in_dim3A : f32 to vector<16xf32>
    %scan3A = arith.constant 0 : i32
    %scan3A_3 = arith.constant 0 : i32
    %scan3A_4 = arith.constant 80 : i32
    %scan3A_5 = arith.addi %scan3A_3, %scan3A_4 : i32
    %scan3A_6 = arith.constant 1 : i32
    scf.for %scan3A_14 = %scan3A_3 to %scan3A_5 step %scan3A_6  : i32 {
      %mul3A_15 = arith.constant 8 : i32
      %mul3A_16 = arith.muli %scan3A_14, %mul3A_15 : i32
      %add3A_17 = arith.constant 0 : i32
      %add3A_18 = arith.addi %mul3A_16, %add3A_17 : i32
      %mul3A_19 = arith.constant 16 : i32
      %mul3A_20 = arith.muli %add3A_18, %mul3A_19 : i32
      %swap3A = arith.index_cast %mul3A_20 : i32 to index
      %swap3A_21 = tpu.vector_load %arg8[%swap3A] {strides = array<i32>} : memref<10240xf32, #tpu.memory_space<vmem>>, vector<16xf32>,
      tpu.vector_store %arg8[%swap3A], %broadcast_in_dim3A_2 {strides = array<i32>} : memref<10240xf32, #tpu.memory_space<vmem>>, vector<16xf32>,
      %mul3A_22 = arith.constant 8 : i32
      %mul3A_23 = arith.muli %scan3A_14, %mul3A_22 : i32
      %add3A_24 = arith.constant 1 : i32
      %add3A_25 = arith.addi %mul3A_23, %add3A_24 : i32
      %mul3A_26 = arith.constant 16 : i32
      %mul3A_27 = arith.muli %add3A_25, %mul3A_26 : i32
      %swap3A_28 = arith.index_cast %mul3A_27 : i32 to index
      %swap3A_29 = tpu.vector_load %arg8[%swap3A_28] {strides = array<i32>} : memref<10240xf32, #tpu.memory_space<vmem>>, vector<16xf32>,
      tpu.vector_store %arg8[%swap3A_28], %broadcast_in_dim3A_2 {strides = array<i32>} : memref<10240xf32, #tpu.memory_space<vmem>>, vector<16xf32>,
      %mul3A_30 = arith.constant 8 : i32
      %mul3A_31 = arith.muli %scan3A_14, %mul3A_30 : i32
      %add3A_32 = arith.constant 2 : i32
      %add3A_33 = arith.addi %mul3A_31, %add3A_32 : i32
      %mul3A_34 = arith.constant 16 : i32
      %mul3A_35 = arith.muli %add3A_33, %mul3A_34 : i32
      %swap3A_36 = arith.index_cast %mul3A_35 : i32 to index
      %swap3A_37 = tpu.vector_load %arg8[%swap3A_36] {strides = array<i32>} : memref<10240xf32, #tpu.memory_space<vmem>>, vector<16xf32>,
      tpu.vector_store %arg8[%swap3A_36], %broadcast_in_dim3A_2 {strides = array<i32>} : memref<10240xf32, #tpu.memory_space<vmem>>, vector<16xf32>,
      %mul3A_38 = arith.constant 8 : i32
      %mul3A_39 = arith.muli %scan3A_14, %mul3A_38 : i32
      %add3A_40 = arith.constant 3 : i32
      %add3A_41 = arith.addi %mul3A_39, %add3A_40 : i32
      %mul3A_42 = arith.constant 16 : i32
      %mul3A_43 = arith.muli %add3A_41, %mul3A_42 : i32
      %swap3A_44 = arith.index_cast %mul3A_43 : i32 to index
      %swap3A_45 = tpu.vector_load %arg8[%swap3A_44] {strides = array<i32>} : memref<10240xf32, #tpu.memory_space<vmem>>, vector<16xf32>,
      tpu.vector_store %arg8[%swap3A_44], %broadcast_in_dim3A_2 {strides = array<i32>} : memref<10240xf32, #tpu.memory_space<vmem>>, vector<16xf32>,
      %mul3A_46 = arith.constant 8 : i32
      %mul3A_47 = arith.muli %scan3A_14, %mul3A_46 : i32
      %add3A_48 = arith.constant 4 : i32
      %add3A_49 = arith.addi %mul3A_47, %add3A_48 : i32
      %mul3A_50 = arith.constant 16 : i32
      %mul3A_51 = arith.muli %add3A_49, %mul3A_50 : i32
      %swap3A_52 = arith.index_cast %mul3A_51 : i32 to index
      %swap3A_53 = tpu.vector_load %arg8[%swap3A_52] {strides = array<i32>} : memref<10240xf32, #tpu.memory_space<vmem>>, vector<16xf32>,
      tpu.vector_store %arg8[%swap3A_52], %broadcast_in_dim3A_2 {strides = array<i32>} : memref<10240xf32, #tpu.memory_space<vmem>>, vector<16xf32>,
      %mul3A_54 = arith.constant 8 : i32
      %mul3A_55 = arith.muli %scan3A_14, %mul3A_54 : i32
      %add3A_56 = arith.constant 5 : i32
      %add3A_57 = arith.addi %mul3A_55, %add3A_56 : i32
      %mul3A_58 = arith.constant 16 : i32
      %mul3A_59 = arith.muli %add3A_57, %mul3A_58 : i32
      %swap3A_60 = arith.index_cast %mul3A_59 : i32 to index
      %swap3A_61 = tpu.vector_load %arg8[%swap3A_60] {strides = array<i32>} : memref<10240xf32, #tpu.memory_space<vmem>>, vector<16xf32>,
      tpu.vector_store %arg8[%swap3A_60], %broadcast_in_dim3A_2 {strides = array<i32>} : memref<10240xf32, #tpu.memory_space<vmem>>, vector<16xf32>,
      %mul3A_62 = arith.constant 8 : i32
      %mul3A_63 = arith.muli %scan3A_14, %mul3A_62 : i32
      %add3A_64 = arith.constant 6 : i32
      %add3A_65 = arith.addi %mul3A_63, %add3A_64 : i32
      %mul3A_66 = arith.constant 16 : i32
      %mul3A_67 = arith.muli %add3A_65, %mul3A_66 : i32
      %swap3A_68 = arith.index_cast %mul3A_67 : i32 to index
      %swap3A_69 = tpu.vector_load %arg8[%swap3A_68] {strides = array<i32>} : memref<10240xf32, #tpu.memory_space<vmem>>, vector<16xf32>,
      tpu.vector_store %arg8[%swap3A_68], %broadcast_in_dim3A_2 {strides = array<i32>} : memref<10240xf32, #tpu.memory_space<vmem>>, vector<16xf32>,
      %mul3A_70 = arith.constant 8 : i32
      %mul3A_71 = arith.muli %scan3A_14, %mul3A_70 : i32
      %add3A_72 = arith.constant 7 : i32
      %add3A_73 = arith.addi %mul3A_71, %add3A_72 : i32
      %mul3A_74 = arith.constant 16 : i32
      %mul3A_75 = arith.muli %add3A_73, %mul3A_74 : i32
      %swap3A_76 = arith.index_cast %mul3A_75 : i32 to index
      %swap3A_77 = tpu.vector_load %arg8[%swap3A_76] {strides = array<i32>} : memref<10240xf32, #tpu.memory_space<vmem>>, vector<16xf32>,
      tpu.vector_store %arg8[%swap3A_76], %broadcast_in_dim3A_2 {strides = array<i32>} : memref<10240xf32, #tpu.memory_space<vmem>>, vector<16xf32>,
    }
    %scan3A_7 = arith.constant 80 : i32
    %scan3A_8 = arith.constant 0 : i32
    %scan3A_9 = arith.constant 0 : i32
    %scan3A_10 = arith.constant 84 : i32
    %scan3A_11 = arith.addi %scan3A_9, %scan3A_10 : i32
    %scan3A_12 = arith.constant 1 : i32
    scf.for %scan3A_14 = %scan3A_9 to %scan3A_11 step %scan3A_12  : i32 {
      %get3A = arith.index_cast %scan3A_14 : i32 to index
      %get3A_15 = arith.constant 0 : index
      %get3A_16 = tpu.vector_load %arg5[%get3A, %get3A_15] {strides = array<i32>} : memref<84x128xi32, #tpu.memory_space<vmem>>, vector<16xi32>,
      %get3A_17 = arith.index_cast %scan3A_14 : i32 to index
      %get3A_18 = arith.constant 0 : index
      %get3A_19 = tpu.vector_load %arg6[%get3A_17, %get3A_18] {strides = array<i32>} : memref<84x128xi32, #tpu.memory_space<vmem>>, vector<16xi32>,
      %gather3A = tpu.vector_load_idx %arg7[%get3A_16] : memref<10240xf32, #tpu.memory_space<vmem>>[vector<16xi32>], vector<16xf32>,
      tpu.vector_store_idx %arg8[%get3A_19], %gather3A {add = true} : memref<10240xf32, #tpu.memory_space<vmem>>[vector<16xi32>], vector<16xf32>,
      %get3A_20 = arith.index_cast %scan3A_14 : i32 to index
      %get3A_21 = arith.constant 16 : index
      %get3A_22 = tpu.vector_load %arg5[%get3A_20, %get3A_21] {strides = array<i32>} : memref<84x128xi32, #tpu.memory_space<vmem>>, vector<16xi32>,
      %get3A_23 = arith.index_cast %scan3A_14 : i32 to index
      %get3A_24 = arith.constant 16 : index
      %get3A_25 = tpu.vector_load %arg6[%get3A_23, %get3A_24] {strides = array<i32>} : memref<84x128xi32, #tpu.memory_space<vmem>>, vector<16xi32>,
      %gather3A_26 = tpu.vector_load_idx %arg7[%get3A_22] : memref<10240xf32, #tpu.memory_space<vmem>>[vector<16xi32>], vector<16xf32>,
      tpu.vector_store_idx %arg8[%get3A_25], %gather3A_26 {add = true} : memref<10240xf32, #tpu.memory_space<vmem>>[vector<16xi32>], vector<16xf32>,
      %get3A_27 = arith.index_cast %scan3A_14 : i32 to index
      %get3A_28 = arith.constant 32 : index
      %get3A_29 = tpu.vector_load %arg5[%get3A_27, %get3A_28] {strides = array<i32>} : memref<84x128xi32, #tpu.memory_space<vmem>>, vector<16xi32>,
      %get3A_30 = arith.index_cast %scan3A_14 : i32 to index
      %get3A_31 = arith.constant 32 : index
      %get3A_32 = tpu.vector_load %arg6[%get3A_30, %get3A_31] {strides = array<i32>} : memref<84x128xi32, #tpu.memory_space<vmem>>, vector<16xi32>,
      %gather3A_33 = tpu.vector_load_idx %arg7[%get3A_29] : memref<10240xf32, #tpu.memory_space<vmem>>[vector<16xi32>], vector<16xf32>,
      tpu.vector_store_idx %arg8[%get3A_32], %gather3A_33 {add = true} : memref<10240xf32, #tpu.memory_space<vmem>>[vector<16xi32>], vector<16xf32>,
      %get3A_34 = arith.index_cast %scan3A_14 : i32 to index
      %get3A_35 = arith.constant 48 : index
      %get3A_36 = tpu.vector_load %arg5[%get3A_34, %get3A_35] {strides = array<i32>} : memref<84x128xi32, #tpu.memory_space<vmem>>, vector<16xi32>,
      %get3A_37 = arith.index_cast %scan3A_14 : i32 to index
      %get3A_38 = arith.constant 48 : index
      %get3A_39 = tpu.vector_load %arg6[%get3A_37, %get3A_38] {strides = array<i32>} : memref<84x128xi32, #tpu.memory_space<vmem>>, vector<16xi32>,
      %gather3A_40 = tpu.vector_load_idx %arg7[%get3A_36] : memref<10240xf32, #tpu.memory_space<vmem>>[vector<16xi32>], vector<16xf32>,
      tpu.vector_store_idx %arg8[%get3A_39], %gather3A_40 {add = true} : memref<10240xf32, #tpu.memory_space<vmem>>[vector<16xi32>], vector<16xf32>,
      %get3A_41 = arith.index_cast %scan3A_14 : i32 to index
      %get3A_42 = arith.constant 64 : index
      %get3A_43 = tpu.vector_load %arg5[%get3A_41, %get3A_42] {strides = array<i32>} : memref<84x128xi32, #tpu.memory_space<vmem>>, vector<16xi32>,
      %get3A_44 = arith.index_cast %scan3A_14 : i32 to index
      %get3A_45 = arith.constant 64 : index
      %get3A_46 = tpu.vector_load %arg6[%get3A_44, %get3A_45] {strides = array<i32>} : memref<84x128xi32, #tpu.memory_space<vmem>>, vector<16xi32>,
      %gather3A_47 = tpu.vector_load_idx %arg7[%get3A_43] : memref<10240xf32, #tpu.memory_space<vmem>>[vector<16xi32>], vector<16xf32>,
      tpu.vector_store_idx %arg8[%get3A_46], %gather3A_47 {add = true} : memref<10240xf32, #tpu.memory_space<vmem>>[vector<16xi32>], vector<16xf32>,
      %get3A_48 = arith.index_cast %scan3A_14 : i32 to index
      %get3A_49 = arith.constant 80 : index
      %get3A_50 = tpu.vector_load %arg5[%get3A_48, %get3A_49] {strides = array<i32>} : memref<84x128xi32, #tpu.memory_space<vmem>>, vector<16xi32>,
      %get3A_51 = arith.index_cast %scan3A_14 : i32 to index
      %get3A_52 = arith.constant 80 : index
      %get3A_53 = tpu.vector_load %arg6[%get3A_51, %get3A_52] {strides = array<i32>} : memref<84x128xi32, #tpu.memory_space<vmem>>, vector<16xi32>,
      %gather3A_54 = tpu.vector_load_idx %arg7[%get3A_50] : memref<10240xf32, #tpu.memory_space<vmem>>[vector<16xi32>], vector<16xf32>,
      tpu.vector_store_idx %arg8[%get3A_53], %gather3A_54 {add = true} : memref<10240xf32, #tpu.memory_space<vmem>>[vector<16xi32>], vector<16xf32>,
      %get3A_55 = arith.index_cast %scan3A_14 : i32 to index
      %get3A_56 = arith.constant 96 : index
      %get3A_57 = tpu.vector_load %arg5[%get3A_55, %get3A_56] {strides = array<i32>} : memref<84x128xi32, #tpu.memory_space<vmem>>, vector<16xi32>,
      %get3A_58 = arith.index_cast %scan3A_14 : i32 to index
      %get3A_59 = arith.constant 96 : index
      %get3A_60 = tpu.vector_load %arg6[%get3A_58, %get3A_59] {strides = array<i32>} : memref<84x128xi32, #tpu.memory_space<vmem>>, vector<16xi32>,
      %gather3A_61 = tpu.vector_load_idx %arg7[%get3A_57] : memref<10240xf32, #tpu.memory_space<vmem>>[vector<16xi32>], vector<16xf32>,
      tpu.vector_store_idx %arg8[%get3A_60], %gather3A_61 {add = true} : memref<10240xf32, #tpu.memory_space<vmem>>[vector<16xi32>], vector<16xf32>,
      %get3A_62 = arith.index_cast %scan3A_14 : i32 to index
      %get3A_63 = arith.constant 112 : index
      %get3A_64 = tpu.vector_load %arg5[%get3A_62, %get3A_63] {strides = array<i32>} : memref<84x128xi32, #tpu.memory_space<vmem>>, vector<16xi32>,
      %get3A_65 = arith.index_cast %scan3A_14 : i32 to index
      %get3A_66 = arith.constant 112 : index
      %get3A_67 = tpu.vector_load %arg6[%get3A_65, %get3A_66] {strides = array<i32>} : memref<84x128xi32, #tpu.memory_space<vmem>>, vector<16xi32>,
      %gather3A_68 = tpu.vector_load_idx %arg7[%get3A_64] : memref<10240xf32, #tpu.memory_space<vmem>>[vector<16xi32>], vector<16xf32>,
      tpu.vector_store_idx %arg8[%get3A_67], %gather3A_68 {add = true} : memref<10240xf32, #tpu.memory_space<vmem>>[vector<16xi32>], vector<16xf32>,
    }
    %scan3A_13 = arith.constant 84 : i32
    "tpu.region"() ({
      %run_scoped3A_14 = tpu.sem_alloc : memref<!tpu.dma_semaphore, #tpu.memory_space<semaphore_mem>>
      %dma_start3A = arith.constant 0 : i32
      %dma_start3A_15 = tpu.memref_slice %arg4[%add3A, %dma_start3A] : memref<32x10240xf32, #tpu.memory_space<hbm>> -> memref<1x10240xf32, #tpu.memory_space<hbm>>
      %dma_start3A_16 = tpu.memref_squeeze %dma_start3A_15 : memref<1x10240xf32, #tpu.memory_space<hbm>> -> memref<10240xf32, #tpu.memory_space<hbm>>
      %dma_start3A_17 = arith.constant 0 : i32
      %dma_start3A_18 = tpu.memref_slice %arg4[%add3A, %dma_start3A_17] : memref<32x10240xf32, #tpu.memory_space<hbm>> -> memref<1x10240xf32, #tpu.memory_space<hbm>>
      %dma_start3A_19 = tpu.memref_squeeze %dma_start3A_18 : memref<1x10240xf32, #tpu.memory_space<hbm>> -> memref<10240xf32, #tpu.memory_space<hbm>>
      tpu.enqueue_dma source(%arg8 : memref<10240xf32, #tpu.memory_space<vmem>>) target(%dma_start3A_19 : memref<10240xf32, #tpu.memory_space<hbm>>) target_semaphore(%run_scoped3A_14 : memref<!tpu.dma_semaphore, #tpu.memory_space<semaphore_mem>>)
      %dma_wait3A = arith.constant 0 : i32
      %dma_wait3A_20 = tpu.memref_slice %arg4[%add3A, %dma_wait3A] : memref<32x10240xf32, #tpu.memory_space<hbm>> -> memref<1x10240xf32, #tpu.memory_space<hbm>>
      %dma_wait3A_21 = tpu.memref_squeeze %dma_wait3A_20 : memref<1x10240xf32, #tpu.memory_space<hbm>> -> memref<10240xf32, #tpu.memory_space<hbm>>
      %dma_wait3A_22 = arith.constant 0 : i32
      %dma_wait3A_23 = tpu.memref_slice %arg4[%add3A, %dma_wait3A_22] : memref<32x10240xf32, #tpu.memory_space<hbm>> -> memref<1x10240xf32, #tpu.memory_space<hbm>>
      %dma_wait3A_24 = tpu.memref_squeeze %dma_wait3A_23 : memref<1x10240xf32, #tpu.memory_space<hbm>> -> memref<10240xf32, #tpu.memory_space<hbm>>
      tpu.wait_dma2 semaphore(%run_scoped3A_14 : memref<!tpu.dma_semaphore, #tpu.memory_space<semaphore_mem>>) src(%arg8 : memref<10240xf32, #tpu.memory_space<vmem>>) dst(%dma_wait3A_24 : memref<10240xf32, #tpu.memory_space<hbm>>)
      tpu.yield
    }) : () -> ()
    return
  }
}

module attributes {stable_mosaic.version = 14 : i64} {
  func.func @_mm_body(%arg0: memref<10000x128xf32, #tpu.memory_space<vmem>>, %arg1: memref<128x128xf32, #tpu.memory_space<vmem>>, %arg2: memref<10240x128xf32, #tpu.memory_space<vmem>>) attributes {dimension_semantics = [], scalar_prefetch = 0 : i64, scratch_operands = 0 : i64, tpu.core_type = #tpu.core_type<tc>} {
    %get3A = arith.constant 0 : index
    %get3A_0 = arith.constant 0 : index
    %get3A_1 = vector.load %arg0[%get3A, %get3A_0] : memref<10000x128xf32, #tpu.memory_space<vmem>>, vector<10000x128xf32>
    %get3A_2 = arith.constant 0 : index
    %get3A_3 = arith.constant 0 : index
    %get3A_4 = vector.load %arg1[%get3A_2, %get3A_3] : memref<128x128xf32, #tpu.memory_space<vmem>>, vector<128x128xf32>
    %dot_general3A = arith.constant dense<0.000000e+00> : vector<10000x128xf32>
    %dot_general3A_5 = tpu.matmul %get3A_1, %get3A_4, %dot_general3A {dimension_numbers = #tpu.dot_dimension_numbers<[1], [0], [0], [1], [0, 0, 1, 1], [], []>, transpose_lhs_hint = false} : vector<10000x128xf32>, vector<128x128xf32>, vector<10000x128xf32> -> vector<10000x128xf32>
    %swap3A = arith.constant 0 : index
    %swap3A_6 = arith.constant 0 : index
    %swap3A_7 = vector.load %arg2[%swap3A, %swap3A_6] : memref<10240x128xf32, #tpu.memory_space<vmem>>, vector<10000x128xf32>
    tpu.vector_store %arg2[%swap3A, %swap3A_6], %dot_general3A_5 {strides = array<i32>} : memref<10240x128xf32, #tpu.memory_space<vmem>>, vector<10000x128xf32>,
    %broadcast_in_dim3A = arith.constant 0.000000e+00 : f32
    %broadcast_in_dim3A_8 = vector.broadcast %broadcast_in_dim3A : f32 to vector<240x128xf32>
    %swap3A_9 = arith.constant 10000 : index
    %swap3A_10 = arith.constant 0 : index
    %swap3A_11 = vector.load %arg2[%swap3A_9, %swap3A_10] : memref<10240x128xf32, #tpu.memory_space<vmem>>, vector<240x128xf32>
    tpu.vector_store %arg2[%swap3A_9, %swap3A_10], %broadcast_in_dim3A_8 {strides = array<i32>} : memref<10240x128xf32, #tpu.memory_space<vmem>>, vector<240x128xf32>,
    return
  }
}

module attributes {stable_mosaic.version = 14 : i64} {
  func.func @_prep_body(%arg0: memref<32x10240xf32, #tpu.memory_space<vmem>>, %arg1: memref<10240x128xf32, #tpu.memory_space<vmem>>, %arg2: memref<10240x1xf32, #tpu.memory_space<vmem>>, %arg3: memref<1x10240xf32, #tpu.memory_space<vmem>>, %arg4: memref<10240x64xbf16, #tpu.memory_space<vmem>>) attributes {dimension_semantics = [], scalar_prefetch = 0 : i64, scratch_operands = 0 : i64, tpu.core_type = #tpu.core_type<tc>} {
    %get3A = arith.constant 0 : index
    %get3A_0 = arith.constant 0 : index
    %get3A_1 = vector.load %arg0[%get3A, %get3A_0] : memref<32x10240xf32, #tpu.memory_space<vmem>>, vector<32x10240xf32>
    %broadcast_in_dim3A = arith.constant 1.000000e+00 : f32
    %broadcast_in_dim3A_2 = vector.broadcast %broadcast_in_dim3A : f32 to vector<32x1xf32>
    %dot_general3A = arith.constant dense<0.000000e+00> : vector<10240x1xf32>
    %dot_general3A_3 = tpu.matmul %get3A_1, %broadcast_in_dim3A_2, %dot_general3A {dimension_numbers = #tpu.dot_dimension_numbers<[0], [0], [1], [1], [0, 1, 1, 1], [], []>, transpose_lhs_hint = false} : vector<32x10240xf32>, vector<32x1xf32>, vector<10240x1xf32> -> vector<10240x1xf32>
    %rsqrt3A = math.rsqrt %dot_general3A_3 : vector<10240x1xf32>
    %swap3A = arith.constant 0 : index
    %swap3A_4 = arith.constant 0 : index
    %swap3A_5 = vector.load %arg2[%swap3A, %swap3A_4] : memref<10240x1xf32, #tpu.memory_space<vmem>>, vector<10240x1xf32>
    tpu.vector_store %arg2[%swap3A, %swap3A_4], %rsqrt3A {strides = array<i32>} : memref<10240x1xf32, #tpu.memory_space<vmem>>, vector<10240x1xf32>,
    %transpose3A = tpu.transpose %rsqrt3A, [1, 0] : vector<10240x1xf32> -> vector<1x10240xf32>
    %swap3A_6 = arith.constant 0 : index
    %swap3A_7 = arith.constant 0 : index
    %swap3A_8 = vector.load %arg3[%swap3A_6, %swap3A_7] : memref<1x10240xf32, #tpu.memory_space<vmem>>, vector<1x10240xf32>
    tpu.vector_store %arg3[%swap3A_6, %swap3A_7], %transpose3A {strides = array<i32>} : memref<1x10240xf32, #tpu.memory_space<vmem>>, vector<1x10240xf32>,
    %get3A_9 = arith.constant 0 : index
    %get3A_10 = arith.constant 0 : index
    %get3A_11 = vector.load %arg1[%get3A_9, %get3A_10] : memref<10240x128xf32, #tpu.memory_space<vmem>>, vector<10240x64xf32>
    %mul3A = vector.broadcast %rsqrt3A : vector<10240x1xf32> to vector<10240x64xf32>
    %mul3A_12 = arith.mulf %get3A_11, %mul3A : vector<10240x64xf32>
    %convert_element_type3A = arith.truncf %mul3A_12 : vector<10240x64xf32> to vector<10240x64xbf16>
    %swap3A_13 = arith.constant 0 : index
    %swap3A_14 = arith.constant 0 : index
    %swap3A_15 = vector.load %arg4[%swap3A_13, %swap3A_14] : memref<10240x64xbf16, #tpu.memory_space<vmem>>, vector<10240x64xbf16>
    tpu.vector_store %arg4[%swap3A_13, %swap3A_14], %convert_element_type3A {strides = array<i32>} : memref<10240x64xbf16, #tpu.memory_space<vmem>>, vector<10240x64xbf16>,
    return
  }
}

module attributes {stable_mosaic.version = 14 : i64} {
  func.func @_mid_body(%arg0: memref<2x10240x64xbf16, #tpu.memory_space<vmem>>, %arg1: memref<10240x128xf32, #tpu.memory_space<vmem>>, %arg2: memref<10240x1xf32, #tpu.memory_space<vmem>>, %arg3: memref<1x10240xf32, #tpu.memory_space<vmem>>, %arg4: memref<1x64xf32, #tpu.memory_space<vmem>>, %arg5: memref<1x64xf32, #tpu.memory_space<vmem>>, %arg6: memref<64x2xf32, #tpu.memory_space<vmem>>, %arg7: memref<64x2xf32, #tpu.memory_space<vmem>>, %arg8: memref<1x1xf32, #tpu.memory_space<vmem>>, %arg9: memref<10240xf32, #tpu.memory_space<vmem>>, %arg10: memref<1x10240xf32, #tpu.memory_space<vmem>>) attributes {dimension_semantics = [], scalar_prefetch = 0 : i64, scratch_operands = 0 : i64, tpu.core_type = #tpu.core_type<tc>} {
    %get3A = arith.constant 0 : index
    %get3A_0 = arith.constant 0 : index
    %get3A_1 = vector.load %arg2[%get3A, %get3A_0] : memref<10240x1xf32, #tpu.memory_space<vmem>>, vector<10240x1xf32>
    %get3A_2 = arith.constant 0 : index
    %get3A_3 = arith.constant 0 : index
    %get3A_4 = arith.constant 0 : index
    %get3A_5 = vector.load %arg0[%get3A_2, %get3A_3, %get3A_4] : memref<2x10240x64xbf16, #tpu.memory_space<vmem>>, vector<1x10240x64xbf16>
    %get3A_6 = vector.shape_cast %get3A_5 : vector<1x10240x64xbf16> to vector<10240x64xbf16>
    %get3A_7 = arith.constant 1 : index
    %get3A_8 = arith.constant 0 : index
    %get3A_9 = arith.constant 0 : index
    %get3A_10 = vector.load %arg0[%get3A_7, %get3A_8, %get3A_9] : memref<2x10240x64xbf16, #tpu.memory_space<vmem>>, vector<1x10240x64xbf16>
    %get3A_11 = vector.shape_cast %get3A_10 : vector<1x10240x64xbf16> to vector<10240x64xbf16>
    %add3A = arith.addf %get3A_6, %get3A_11 : vector<10240x64xbf16>
    %convert_element_type3A = arith.extf %add3A : vector<10240x64xbf16> to vector<10240x64xf32>
    %mul3A = vector.broadcast %get3A_1 : vector<10240x1xf32> to vector<10240x64xf32>
    %mul3A_12 = arith.mulf %mul3A, %convert_element_type3A : vector<10240x64xf32>
    %get3A_13 = arith.constant 0 : index
    %get3A_14 = arith.constant 0 : index
    %get3A_15 = vector.load %arg4[%get3A_13, %get3A_14] : memref<1x64xf32, #tpu.memory_space<vmem>>, vector<1x64xf32>
    %add3A_16 = vector.broadcast %get3A_15 : vector<1x64xf32> to vector<10240x64xf32>
    %add3A_17 = arith.addf %mul3A_12, %add3A_16 : vector<10240x64xf32>
    %max3A = arith.constant 0.000000e+00 : f32
    %max3A_18 = vector.broadcast %max3A : f32 to vector<10240x64xf32>
    %max3A_19 = arith.maximumf %add3A_17, %max3A_18 : vector<10240x64xf32>
    %get3A_20 = arith.constant 0 : index
    %get3A_21 = arith.constant 64 : index
    %get3A_22 = vector.load %arg1[%get3A_20, %get3A_21] : memref<10240x128xf32, #tpu.memory_space<vmem>>, vector<10240x64xf32>
    %get3A_23 = arith.constant 0 : index
    %get3A_24 = arith.constant 0 : index
    %get3A_25 = vector.load %arg5[%get3A_23, %get3A_24] : memref<1x64xf32, #tpu.memory_space<vmem>>, vector<1x64xf32>
    %add3A_26 = vector.broadcast %get3A_25 : vector<1x64xf32> to vector<10240x64xf32>
    %add3A_27 = arith.addf %get3A_22, %add3A_26 : vector<10240x64xf32>
    %max3A_28 = arith.constant 0.000000e+00 : f32
    %max3A_29 = vector.broadcast %max3A_28 : f32 to vector<10240x64xf32>
    %max3A_30 = arith.maximumf %add3A_27, %max3A_29 : vector<10240x64xf32>
    %get3A_31 = arith.constant 0 : index
    %get3A_32 = arith.constant 0 : index
    %get3A_33 = vector.load %arg6[%get3A_31, %get3A_32] : memref<64x2xf32, #tpu.memory_space<vmem>>, vector<64x2xf32>
    %dot_general3A = arith.constant dense<0.000000e+00> : vector<10240x2xf32>
    %dot_general3A_34 = tpu.matmul %max3A_19, %get3A_33, %dot_general3A {dimension_numbers = #tpu.dot_dimension_numbers<[1], [0], [0], [1], [0, 0, 1, 1], [], []>, transpose_lhs_hint = false} : vector<10240x64xf32>, vector<64x2xf32>, vector<10240x2xf32> -> vector<10240x2xf32>
    %get3A_35 = arith.constant 0 : index
    %get3A_36 = arith.constant 0 : index
    %get3A_37 = vector.load %arg7[%get3A_35, %get3A_36] : memref<64x2xf32, #tpu.memory_space<vmem>>, vector<64x2xf32>
    %dot_general3A_38 = arith.constant dense<0.000000e+00> : vector<10240x2xf32>
    %dot_general3A_39 = tpu.matmul %max3A_30, %get3A_37, %dot_general3A_38 {dimension_numbers = #tpu.dot_dimension_numbers<[1], [0], [0], [1], [0, 0, 1, 1], [], []>, transpose_lhs_hint = false} : vector<10240x64xf32>, vector<64x2xf32>, vector<10240x2xf32> -> vector<10240x2xf32>
    %add3A_40 = arith.addf %dot_general3A_34, %dot_general3A_39 : vector<10240x2xf32>
    %transpose3A = tpu.transpose %add3A_40, [1, 0] : vector<10240x2xf32> -> vector<2x10240xf32>
    %get3A_41 = arith.constant 0 : index
    %get3A_42 = arith.constant 0 : index
    %get3A_43 = vector.load %arg3[%get3A_41, %get3A_42] : memref<1x10240xf32, #tpu.memory_space<vmem>>, vector<1x10240xf32>
    %slice3A = vector.extract_strided_slice %transpose3A {offsets = [0, 0], sizes = [1, 10240], strides = [1, 1]} : vector<2x10240xf32> to vector<1x10240xf32>
    %mul3A_44 = arith.mulf %get3A_43, %slice3A : vector<1x10240xf32>
    %reshape3A = vector.shape_cast %mul3A_44 : vector<1x10240xf32> to vector<10240xf32>
    %swap3A = arith.constant 0 : index
    %swap3A_45 = vector.load %arg9[%swap3A] : memref<10240xf32, #tpu.memory_space<vmem>>, vector<10240xf32>
    tpu.vector_store %arg9[%swap3A], %reshape3A {strides = array<i32>} : memref<10240xf32, #tpu.memory_space<vmem>>, vector<10240xf32>,
    %slice3A_46 = vector.extract_strided_slice %transpose3A {offsets = [1, 0], sizes = [1, 10240], strides = [1, 1]} : vector<2x10240xf32> to vector<1x10240xf32>
    %get3A_47 = arith.constant 0 : index
    %get3A_48 = arith.constant 0 : index
    %get3A_49 = vector.load %arg8[%get3A_47, %get3A_48] : memref<1x1xf32, #tpu.memory_space<vmem>>, vector<1x1xf32>
    %add3A_50 = vector.broadcast %get3A_49 : vector<1x1xf32> to vector<1x10240xf32>
    %add3A_51 = arith.addf %slice3A_46, %add3A_50 : vector<1x10240xf32>
    %swap3A_52 = arith.constant 0 : index
    %swap3A_53 = arith.constant 0 : index
    %swap3A_54 = vector.load %arg10[%swap3A_52, %swap3A_53] : memref<1x10240xf32, #tpu.memory_space<vmem>>, vector<1x10240xf32>
    tpu.vector_store %arg10[%swap3A_52, %swap3A_53], %add3A_51 {strides = array<i32>} : memref<1x10240xf32, #tpu.memory_space<vmem>>, vector<1x10240xf32>,
    return
  }
}

module attributes {stable_mosaic.version = 14 : i64} {
  func.func @_final_body(%arg0: memref<32x10240xf32, #tpu.memory_space<vmem>>, %arg1: memref<1x10240xf32, #tpu.memory_space<vmem>>, %arg2: memref<1x10240xf32, #tpu.memory_space<vmem>>, %arg3: memref<10000xf32, #tpu.memory_space<vmem>>) attributes {dimension_semantics = [], scalar_prefetch = 0 : i64, scratch_operands = 0 : i64, tpu.core_type = #tpu.core_type<tc>} {
    %broadcast_in_dim3A = arith.constant 1.000000e+00 : f32
    %broadcast_in_dim3A_0 = vector.broadcast %broadcast_in_dim3A : f32 to vector<1x32xf32>
    %get3A = arith.constant 0 : index
    %get3A_1 = arith.constant 0 : index
    %get3A_2 = vector.load %arg0[%get3A, %get3A_1] : memref<32x10240xf32, #tpu.memory_space<vmem>>, vector<32x10240xf32>
    %dot_general3A = arith.constant dense<0.000000e+00> : vector<1x10240xf32>
    %dot_general3A_3 = tpu.matmul %broadcast_in_dim3A_0, %get3A_2, %dot_general3A {dimension_numbers = #tpu.dot_dimension_numbers<[1], [0], [0], [1], [0, 0, 1, 1], [], []>, transpose_lhs_hint = false} : vector<1x32xf32>, vector<32x10240xf32>, vector<1x10240xf32> -> vector<1x10240xf32>
    %get3A_4 = arith.constant 0 : index
    %get3A_5 = arith.constant 0 : index
    %get3A_6 = vector.load %arg1[%get3A_4, %get3A_5] : memref<1x10240xf32, #tpu.memory_space<vmem>>, vector<1x10240xf32>
    %mul3A = arith.mulf %get3A_6, %dot_general3A_3 : vector<1x10240xf32>
    %get3A_7 = arith.constant 0 : index
    %get3A_8 = arith.constant 0 : index
    %get3A_9 = vector.load %arg2[%get3A_7, %get3A_8] : memref<1x10240xf32, #tpu.memory_space<vmem>>, vector<1x10240xf32>
    %add3A = arith.addf %mul3A, %get3A_9 : vector<1x10240xf32>
    %slice3A = vector.extract_strided_slice %add3A {offsets = [0, 0], sizes = [1, 10000], strides = [1, 1]} : vector<1x10240xf32> to vector<1x10000xf32>
    %reshape3A = vector.shape_cast %slice3A : vector<1x10000xf32> to vector<10000xf32>
    %swap3A = arith.constant 0 : index
    %swap3A_10 = vector.load %arg3[%swap3A] : memref<10000xf32, #tpu.memory_space<vmem>>, vector<10000xf32>
    tpu.vector_store %arg3[%swap3A], %reshape3A {strides = array<i32>} : memref<10000xf32, #tpu.memory_space<vmem>>, vector<10000xf32>,
    return
  }
}

</mosaic_0001>

<sc_bundles>
// kernel: kernel.12.cloned.1.call-start
scs
__scs_entry_jumppad:
0x0: {  	(pc) =	sbr.rel $0x88, $3  }
0x1: {  	(tag) =	ssettag $0x0;
	lr =	simm.s32 $0x1  }
0x2: {  	[smem:$0x3F97] =	sst lr;
	_ =	strace $0xD0000000  }
0x3: {  	_ = 	snop  }
0x4: {  	_ = 	snop  }
0x5: {  	_ = 	snop  }
0x6: {  	_ = 	snop  }
0x7: {  	_ = 	snop  }
__scs_overlays_trampoline_lowered:
0x8: {  	[smem:$0x3FA6] =	sst s0  }
0x9: {  	[smem:$0x3FA7] =	sst s1  }
0xa: {  	[smem:$0x3FA8] =	sst s2  }
0xb: {  	[smem:$0x3FA9] =	sst s3  }
0xc: {  	[smem:$0x3FAA] =	sst s4  }
0xd: {  	[smem:$0x3FAB] =	sst s5  }
0xe: {  	[smem:$0x3FAC] =	sst s6  }
0xf: {  	[smem:$0x3FAD] =	sst s7  }
0x10: {  	[smem:$0x3FAE] =	sst s8  }
0x11: {  	[smem:$0x3FAF] =	sst s9;
	s0 =	simm.s32 @!p0 $0x0  }
0x12: {  	s1 =	sld [smem:$0x3F95];
	s0 =	simm.s32 @p0 $0x1  }
0x13: {  	[smem:$0x3FB0] =	sst s0;
	s0 =	simm.s32 @!p1 $0x0  }
0x14: {  	s2 =	sld [smem:$0x3F94];
	s0 =	simm.s32 @p1 $0x1  }
0x15: {  	[smem:$0x3FB1] =	sst s0;
	s0 =	simm.s32 @!p2 $0x0  }
0x16: {  	s3 =	sld [smem:$0x3FDB];
	s0 =	simm.s32 @p2 $0x1  }
0x17: {  	s4 =	simm.s32 $0x1BF5;
	[smem:$0x3FB3] =	sst s0  }
0x18: {  	s0 =	sld [smem:$0x3F96];
	_ =	swait.ge [sflag:s4], $0x0  }
0x19: {  	s7 =	sld [smem:$0x3F97]  }
0x1a: {  	s8 =	sadd.s32 $0xFFFFE003, lr  }
0x1b: {  	s9 =	sadd.s32 $0xFFFFFEF7, lr;
	s5 =	simm.s32 $0xFFFFFFFF;
	p2 =	slt.u32 s8, $0xFFFFF086  }
0x1c: {  	p1 =	slt.u32 s9, $0xF7A;
	s5 =	simm.s32 @!p2 $0x0  }
0x1d: {  	s5 =	simm.s32 @p1 $0x1;
	p0 =	seq.s32 s7, s2  }
0x1e: {  	s7 =	smul.u32 @!p0 $0xF7A, s2;
	p2 =	seq.s32 @!p0 s5, $0x0  }
0x1f: {  	s9 =	smul.u32 $0xF7A, s1;
	s8 =	simm.s32 @!p0 $0x1BF5;
	p2 =	por !p2, p0  }
0x20: {  	[sflag:s8] =	ssyncset.s32 @!p0 $0xFFFFF086;
	s6 =	sadd.s32 @!p0 s3, s7;
	s7 =	simm.s32 @!p0 $0x108  }
0x21: {  	s3 =	sadd.s32 s3, s9;
	s6 =	sadd.s32 @!p0 $0x88, s6;
	s7 =	simm.s32 @p2 $0x1082  }
0x22: {  	[simem:s7], [sflag:s8] =	dma.local @!p0 [hbm:s6], $0xF7A  }
0x23: {  	s9 =	sor.u32 $0xD0000000, s2;
	s6 =	simm.s32 $0x108;
	_ =	swait.ge @!p0 [sflag:s8], $0x0  }
0x24: {  	s3 =	sadd.s32 $0x88, s3;
	s6 =	simm.s32 @!p1 $0x1082;
	[sflag:s4] =	ssyncset.s32 $0xFFFFF086  }
0x25: {  	[simem:s6], [sflag:s4] =	dma.local [hbm:s3], $0xF7A  }
0x26: {  	[smem:$0x3F97] =	sst s1;
	(tag) =	ssettag s2;
	_ =	strace s9  }
0x27: {  	s1 =	sld [smem:$0x3FA7]  }
0x28: {  	s2 =	sld [smem:$0x3FA8]  }
0x29: {  	s4 =	sld [smem:$0x3FAA]  }
0x2a: {  	p0 =	seq.s32 s5, $0x0;
	s5 =	sld [smem:$0x3FAB]  }
0x2b: {  	s6 =	sld [smem:$0x3FAC]  }
0x2c: {  	s7 =	sld [smem:$0x3FAD]  }
0x2d: {  	s3 =	simm.s32 $0x108;
	s8 =	sld [smem:$0x3FAE]  }
0x2e: {  	s3 =	simm.s32 @!p0 $0x1082;
	s9 =	sld [smem:$0x3FAF]  }
0x2f: {  	lr =	sadd.s32 s0, s3;
	s0 =	sld [smem:$0x3FA6]  }
0x30: {  	s3 =	sld [smem:$0x3FA9]  }
0x31: {  	[smem:$0x3FB2] =	sst s10  }
0x32: {  	s10 =	sld [smem:$0x3FB0];
	_ =	sdelay $0x3  }
0x33: {  	p0 =	seq.s32 s10, $0x1;
	s10 =	sld [smem:$0x3FB2];
	_ =	sdelay $0x3  }
0x34: {  	[smem:$0x3FB2] =	sst s10  }
0x35: {  	s10 =	sld [smem:$0x3FB1];
	_ =	sdelay $0x3  }
0x36: {  	p1 =	seq.s32 s10, $0x1;
	s10 =	sld [smem:$0x3FB2];
	_ =	sdelay $0x3  }
0x37: {  	[smem:$0x3FB2] =	sst s10  }
0x38: {  	s10 =	sld [smem:$0x3FB3]  }
0x39: {  	_ = 	snop;
	(pc) =	sbr.ind lr, $3  }
0x3a: {  	_ = 	snop  }
0x3b: {  	_ = 	snop  }
0x3c: {  	p2 =	seq.s32 s10, $0x1;
	s10 =	sld [smem:$0x3FB2]  }
0x3d: {  	_ =	shalt  }
0x3e: {  	_ =	shalt  }
0x3f: {  	_ =	shalt  }
0x40: {  	_ =	shalt  }
0x41: {  	_ =	shalt  }
0x42: {  	_ =	shalt  }
0x43: {  	_ =	shalt  }
0x44: {  	_ =	shalt  }
0x45: {  	_ =	shalt  }
0x46: {  	_ =	shalt  }
0x47: {  	_ =	shalt  }
0x48: {  	_ =	shalt  }
0x49: {  	_ =	shalt  }
0x4a: {  	_ =	shalt  }
0x4b: {  	_ =	shalt  }
0x4c: {  	_ =	shalt  }
0x4d: {  	_ =	shalt  }
0x4e: {  	_ =	shalt  }
0x4f: {  	_ =	shalt  }
0x50: {  	_ =	shalt  }
0x51: {  	_ =	shalt  }
0x52: {  	_ =	shalt  }
0x53: {  	_ =	shalt  }
0x54: {  	_ =	shalt  }
0x55: {  	_ =	shalt  }
0x56: {  	_ =	shalt  }
0x57: {  	_ =	shalt  }
0x58: {  	_ =	shalt  }
0x59: {  	_ =	shalt  }
0x5a: {  	_ =	shalt  }
0x5b: {  	_ =	shalt  }
0x5c: {  	_ =	shalt  }
0x5d: {  	_ =	shalt  }
0x5e: {  	_ =	shalt  }
0x5f: {  	_ =	shalt  }
0x60: {  	_ =	shalt  }
0x61: {  	_ =	shalt  }
0x62: {  	_ =	shalt  }
0x63: {  	_ =	shalt  }
0x64: {  	_ =	shalt  }
0x65: {  	_ =	shalt  }
0x66: {  	_ =	shalt  }
0x67: {  	_ =	shalt  }
0x68: {  	_ =	shalt  }
0x69: {  	_ =	shalt  }
0x6a: {  	_ =	shalt  }
0x6b: {  	_ =	shalt  }
0x6c: {  	_ =	shalt  }
0x6d: {  	_ =	shalt  }
0x6e: {  	_ =	shalt  }
0x6f: {  	_ =	shalt  }
0x70: {  	_ =	shalt  }
0x71: {  	_ =	shalt  }
0x72: {  	_ =	shalt  }
0x73: {  	_ =	shalt  }
0x74: {  	_ =	shalt  }
0x75: {  	_ =	shalt  }
0x76: {  	_ =	shalt  }
0x77: {  	_ =	shalt  }
0x78: {  	_ =	shalt  }
0x79: {  	_ =	shalt  }
0x7a: {  	_ =	shalt  }
0x7b: {  	_ =	shalt  }
0x7c: {  	_ =	shalt  }
0x7d: {  	_ =	shalt  }
0x7e: {  	_ =	shalt  }
0x7f: {  	_ =	shalt  }
0x80: {  	_ =	shalt  }
0x81: {  	_ =	shalt  }
0x82: {  	_ =	shalt  }
0x83: {  	_ =	shalt  }
0x84: {  	_ =	shalt  }
0x85: {  	_ =	shalt  }
0x86: {  	_ =	shalt  }
0x87: {  	_ =	shalt  }
.Lfunc_end0:
.L_simem_size_0:
called_computation.1_lowered:
.L_overlay_start_0:
0x88: {  	s2 =	sld [smem:$0x3FD9]  }
0x89: {  	s3 =	sld [smem:$0x3FFE];
	_ =	sdelay $0x1  }
0x8a: {  	s1 =	srdreg.scid  }
0x8b: {  	s0 =	sand.u32 $0x1, s1  }
0x8c: {  	s16 =	sshll.u32 s0, $0xA;
	s2 =	sadd.s32 s3, s2  }
0x8d: {  	s2 =	sadd.s32 s2, s16  }
0x8e: {  	[smem:$0x3FBE] =	sst s2  }
0x8f: {  	_ = 	snop  }
0x90: {  	(tm) =	ssettm $0x1  }
0x91: {  	s17 =	sld [smem:$0x3FFB];
	_ =	sdelay $0x3  }
0x92: {  	_ =	strace s17  }
0x93: {  	s2 =	sld [smem:$0x3FFC];
	_ =	sdelay $0x3  }
0x94: {  	_ =	strace s2  }
0x95: {  	s2 =	sld [smem:$0x3FFD];
	_ =	sdelay $0x3  }
0x96: {  	_ =	strace s2  }
0x97: {  	_ =	strace $0x8FFFFFFF  }
0x98: {  	s18 =	sld [smem:$0x3FDB];
	_ =	sdelay $0x1  }
0x99: {  	s19 =	simm.s32 $_scs_section_size  }
0x9a: {  	s4 =	simm.s32 $_size__tile_overlayer_lowered;
	s5 =	simm.s32 $_tile_overlayer_lowered  }
0x9b: {  	s22 =	simm.s32 $0x1BFF;
	s21 =	sshll.u32 s5, $0x1;
	s2 =	sadd.s32 s19, s18  }
0x9c: {  	s6 =	simm.s32 $0x0;
	s20 =	sshll.u32 s4, $0x1;
	s4 =	sadd.s32 s21, s2  }
0x9d: {  	[timem:s6], [sflag:s22] =	dma.local [hbm:s4], s20  }
0x9e: {  	_ =	swait.ge [sflag:s22], s20  }
0x9f: {  	s3 =	ssub.s32 $0x0, s20;
	[sflag:s22] =	ssyncset.done $0x0  }
0xa0: {  	[sflag:s22] =	ssyncadd.s32 s3;
	_ =	sdelay $0x1  }
0xa1: {  	s23 =	simm.s32 $0x1B8B  }
0xa2: {  	_ =	swait.ge [sflag:s23], $0x1  }
0xa3: {  	[sflag:s23] =	ssyncset.done $0x0  }
0xa4: {  	s25 =	simm.s32 $0x1B8E;
	s24 =	sld [smem:$0x3FFE];
	[sflag:s23] =	ssyncadd.s32 $0xFFFFFFFF  }
0xa5: {  	s26 =	simm.s32 $execute0_lowered;
	[smem:$0x3FD2] =	sst s25  }
0xa6: {  	s4 =	sshll.u32 s26, $0x1;
	_ =	strace $0x80000049;
	[dreg:$0x1] =	wrdreg $0xFFFFFFFF  }
0xa7: {  	s28 =	simm.s32 $_size_execute0_lowered;
	s2 =	sadd.s32 s2, s4;
	[dreg:$0x0] =	wrdreg $0x0  }
0xa8: {  	s4 =	sshll.u32 s28, $0x1;
	[dreg:$0x2] =	wrdreg s2  }
0xa9: {  	[dreg:$0x3] =	wrdreg s4  }
0xaa: {  	[dreg:$0x4] =	wrdreg $0xC0  }
0xab: {  	_ =	task [dreg:s6], $0x5FFFF  }
0xac: {  	[dreg:$0x1] =	wrdreg $0xFFFFFFFF  }
0xad: {  	[dreg:$0x0] =	wrdreg $0x60  }
0xae: {  	[dreg:$0x2] =	wrdreg s24  }
0xaf: {  	[dreg:$0x3] =	wrdreg $0x94000  }
0xb0: {  	[dreg:$0x4] =	wrdreg $0x9  }
0xb1: {  	_ =	task.clear_ibuf [dreg:s6], $0x5FFFF;
	_ =	strace $0x90000049  }
0xb2: {  	s29 =	simm.s32 $0x9;
	_ =	strace $0x8000004B  }
0xb3: {  	_ =	swait.ge [sflag:s29], $0x1  }
0xb4: {  	[sflag:s29] =	ssyncadd.s32 $0xFFFFFFFF  }
0xb5: {  	_ =	strace $0x9000004B  }
0xb6: {  	_ =	sfence  }
0xb7: {  	s30 =	sld [smem:$0x0];
	_ =	sdelay $0x2  }
0xb8: {  	s31 =	sshll.u32 s1, $0xD;
	s1 =	sshrl.u32 s1, $0x2  }
0xb9: {  	s3 =	sand.u32 $0x4000, s31;
	s1 =	sadd.s32 s1, s30  }
0xba: {  	s0 =	sor.u32 s3, s0;
	s1 =	sshll.u32 s1, $0x11  }
0xbb: {  	s0 =	sor.u32 s1, s0  }
0xbc: {  	s0 =	sadd.s32 $0x8F2B, s0  }
0xbd: {  	[sflag:s0] =	ssyncadd.remote.s32 $0x1  }
0xbe: {  	_ =	sfence.sel $0xFFFF  }
0xbf: {  	[dreg:$0x0] =	wrdreg $0xFFFFFFFF;
	(pc) =	sbr.abs _section_cstart, $3  }
0xc0: {  	[dreg:$0x1] =	wrdreg $0xFFFFFFFF  }
0xc1: {  	_ =	task.clear_ibuf [dreg:s6], $0x2FFFF;
	_ =	strace $0x9FFFFFFF  }
0xc2: {  	(tm) =	ssettm $0x7FFFFFFF  }
0xc3: {  	_ =	shalt  }
tec
execute0_lowered:
.L_overlay_start_1:
0x0: {  	(tag) =	ssettag $0x1  }
0x1: {  	s0 =	srdreg.scid  }
0x2: {  	s8 =	stileid.u32;
	s5 =	rddreg [dreg:$0x0]  }
0x3: {  	s2 =	rddreg [dreg:$0x1];
	s3 =	simm.s32 $0x0;
	s14 =	simm.s32 $0x5400  }
0x4: {  	s15 =	simm.s32 $0x9;
	s17 =	simm.s32 $0x80;
	s18 =	simm.s32 $0x6400  }
0x5: {  	s20 =	simm.s32 $0x7400;
	s22 =	simm.s32 $0x8400;
	s23 =	simm.s32 $0x1  }
0x6: {  	s28 =	simm.s32 $0x3;
	s29 =	simm.s32 $0x7;
	s30 =	simm.s32 $0x4  }
0x7: {  	s31 =	simm.s32 $0x8;
	s16 =	simm.s32 $0x5300;
	s19 =	simm.s32 $0x5380  }
0x8: {  	s0 =	sand.u32 $0x1, s0;
	s1 =	sshll.u32 s8, $0x1;
	s6 =	smul.u32 $0xA000, s8  }
0x9: {  	[smem:$0x7FF] =	sst s3;
	s8 =	smul.u32 $0x14000, s8;
	s1 =	sor.u32 s0, s1  }
0xa: {  	s4 =	smul.u32 $0xA0000, s0;
	_ =	strace $0x8000004A;
	s0 =	ssub.s32 $0x2, s0  }
0xb: {  	s1 =	smul.u32 $0x2A00, s1;
	s24 =	sshrl.u32 s0, $0x1;
	s25 =	sshrl.u32 s8, $0x2  }
0xc: {  	s26 =	sshrl.u32 s6, $0x1;
	s7 =	sadd.s32 s6, s4;
	s4 =	sadd.s32 $0x18E00, s5  }
0xd: {  	s0 =	ssub.s32 s0, s24;
	s9 =	sadd.s32 s25, s2;
	s24 =	simm.s32 $0x5  }
0xe: {  	s25 =	simm.s32 $0x2;
	s1 =	sshrl.u32 s1, $0x3;
	s7 =	sshrl.u32 s7, $0x4  }
0xf: {  	s6 =	sadd.s32 $0x1000, s9;
	s8 =	sadd.s32 $0x3000, s9;
	s13 =	smax.u32 s0, $0x1  }
0x10: {  	s1 =	sadd.s32 s1, s5;
	s12 =	sadd.s32 s7, s5;
	s5 =	sadd.s32 s26, s2  }
0x11: {  	s7 =	sadd.s32 $0x2000, s9;
	s9 =	sadd.s32 $0x4000, s9;
	s26 =	simm.s32 $0x6  }
0x12: {  	v0 =	vimm.bf16 $0.0e+00;
	s10 =	sadd.s32 $0x22E00, s1;
	s11 =	sadd.s32 $0x2D600, s1;
	s12 =	sadd.s32 $0x37E00, s12  }
.LBB2_1:
0x13: {  	s1 =	simm.s32 $0x80;
	s21 =	simm.s32 $0x0  }
.LBB2_2:
0x14: {  	p0 =	sne.s32 s1, $0x3F80;
	[tilespmem:s21+$0x5400] =	vst v0;
	s0 =	smov.u32 s1;
	s1 =	sadd.s32 $0x80, s1  }
.Ltmp0:
0x15: {  	[tilespmem:s21+$0x5410] =	vst v0;
	(pc) =	sbr.rel @p0 .LBB2_2-.Ltmp0, $2  }
0x16: {  	_ =	sdelay $0x2  }
0x17: {  	s21 =	sshra.s32 s0, $0x2  }
0x18: {  	[tilespmem:s21+$0x5400] =	vst v0  }
0x19: {  	[tilespmem:s21+$0x5410] =	vst v0  }
0x1a: {  	[spmem:s5] =	stream.linear.scatter [tilespmem:s14], [sflag:$0x9], $0x1000, $0x38;
	[tilespmem:$0xE400] =	vst v63  }
0x1b: {  	_ =	swait.ge [sflag:s15], $0x1000  }
0x1c: {  	[sflag:s15] =	ssyncset.done $0x0  }
0x1d: {  	[sflag:s15] =	ssyncadd.s32 $0xFFFFF000  }
0x1e: {  	[spmem:s6] =	stream.linear.scatter [tilespmem:s14], [sflag:$0x9], $0x1000, $0x38;
	[tilespmem:$0xE400] =	vst v63  }
0x1f: {  	_ =	swait.ge [sflag:s15], $0x1000  }
0x20: {  	[sflag:s15] =	ssyncset.done $0x0  }
0x21: {  	[sflag:s15] =	ssyncadd.s32 $0xFFFFF000  }
0x22: {  	[spmem:s7] =	stream.linear.scatter [tilespmem:s14], [sflag:$0x9], $0x1000, $0x38;
	[tilespmem:$0xE400] =	vst v63  }
0x23: {  	_ =	swait.ge [sflag:s15], $0x1000  }
0x24: {  	[sflag:s15] =	ssyncset.done $0x0  }
0x25: {  	[sflag:s15] =	ssyncadd.s32 $0xFFFFF000  }
0x26: {  	[spmem:s8] =	stream.linear.scatter [tilespmem:s14], [sflag:$0x9], $0x1000, $0x38;
	[tilespmem:$0xE400] =	vst v63  }
0x27: {  	_ =	swait.ge [sflag:s15], $0x1000  }
0x28: {  	[sflag:s15] =	ssyncset.done $0x0  }
0x29: {  	[sflag:s15] =	ssyncadd.s32 $0xFFFFF000  }
0x2a: {  	[spmem:s9] =	stream.linear.scatter [tilespmem:s14], [sflag:$0x9], $0x1000, $0x38;
	[tilespmem:$0xE400] =	vst v63  }
0x2b: {  	_ =	swait.ge [sflag:s15], $0x1000  }
0x2c: {  	[sflag:s15] =	ssyncset.done $0x0  }
0x2d: {  	[sflag:s15] =	ssyncadd.s32 $0xFFFFF000  }
0x2e: {  	s0 =	simm.s32 $0x0;
	[bflag:$0x0] =	sbarrier.arrive $0xFFFF  }
0x2f: {  	[tilespmem:s0], [sflag:$0x9] =	stream.linear.gather [hbm4b:s10+s0], $0x2A00, $0x38;
	[tilespmem:$0xE400] =	vst v63  }
0x30: {  	_ =	swait.ge [sflag:s15], $0x2A00  }
0x31: {  	[sflag:s15] =	ssyncset.done $0x0  }
0x32: {  	s1 =	simm.s32 $0x2A00;
	[sflag:s15] =	ssyncadd.s32 $0xFFFFD600  }
0x33: {  	[tilespmem:s1], [sflag:$0x9] =	stream.linear.gather [hbm4b:s11+s0], $0x2A00, $0x38;
	[tilespmem:$0xE400] =	vst v63  }
0x34: {  	_ =	swait.ge [sflag:s15], $0x2A00  }
0x35: {  	[sflag:s15] =	ssyncset.done $0x0  }
0x36: {  	[sflag:s15] =	ssyncadd.s32 $0xFFFFD600  }
0x37: {  	[tilespmem:s14], [sflag:$0x1] =	stream.indirect.gather [hbm4b:s4+s17], $0x20, s0, s17, $0xb8;
	[tilespmem:$0xE400] =	vst v63  }
0x38: {  	_ = 	snop  }
0x39: {  	[tilespmem:s18], [sflag:$0x2] =	stream.indirect.gather [hbm4b:s4+s17], $0x20, s17, s17, $0xb8;
	[tilespmem:$0xE400] =	vst v63  }
0x3a: {  	s21 =	simm.s32 $0x100  }
0x3b: {  	[tilespmem:s20], [sflag:$0x3] =	stream.indirect.gather [hbm4b:s4+s17], $0x20, s21, s17, $0xb8;
	[tilespmem:$0xE400] =	vst v63  }
0x3c: {  	s1 =	simm.s32 $0x180  }
0x3d: {  	[tilespmem:s22], [sflag:$0x4] =	stream.indirect.gather [hbm4b:s4+s17], $0x20, s1, s17, $0xb8;
	[tilespmem:$0xE400] =	vst v63  }
0x3e: {  	_ =	swait.ge [sflag:s23], $0x1000  }
0x3f: {  	[sflag:s23] =	ssyncset.done $0x0  }
0x40: {  	s21 =	simm.s32 $0x2A00;
	[sflag:s23] =	ssyncadd.s32 $0xFFFFF000  }
0x41: {  	[spmem:s2] =	stream.indirect.scatter.add.bf16 [tilespmem:s14], [sflag:$0x5], $0x20, s21, s17, $0xb8;
	[tilespmem:$0xE400] =	vst v63  }
0x42: {  	_ =	swait.ge [sflag:s24], $0x1000  }
0x43: {  	[sflag:s24] =	ssyncset.done $0x0  }
0x44: {  	s1 =	simm.s32 $0x200;
	[sflag:s24] =	ssyncadd.s32 $0xFFFFF000  }
0x45: {  	[tilespmem:s14], [sflag:$0x1] =	stream.indirect.gather [hbm4b:s4+s17], $0x20, s1, s17, $0xb8;
	[tilespmem:$0xE400] =	vst v63  }
0x46: {  	_ =	swait.ge [sflag:s25], $0x1000  }
0x47: {  	[sflag:s25] =	ssyncset.done $0x0  }
0x48: {  	s21 =	simm.s32 $0x2A80;
	[sflag:s25] =	ssyncadd.s32 $0xFFFFF000  }
0x49: {  	[spmem:s2] =	stream.indirect.scatter.add.bf16 [tilespmem:s18], [sflag:$0x6], $0x20, s21, s17, $0xb8;
	[tilespmem:$0xE400] =	vst v63  }
0x4a: {  	_ =	swait.ge [sflag:s26], $0x1000  }
0x4b: {  	[sflag:s26] =	ssyncset.done $0x0  }
0x4c: {  	s1 =	simm.s32 $0x280;
	[sflag:s26] =	ssyncadd.s32 $0xFFFFF000  }
0x4d: {  	[tilespmem:s18], [sflag:$0x2] =	stream.indirect.gather [hbm4b:s4+s17], $0x20, s1, s17, $0xb8;
	[tilespmem:$0xE400] =	vst v63  }
0x4e: {  	_ =	swait.ge [sflag:s28], $0x1000  }
0x4f: {  	[sflag:s28] =	ssyncset.done $0x0  }
0x50: {  	s21 =	simm.s32 $0x2B00;
	[sflag:s28] =	ssyncadd.s32 $0xFFFFF000  }
0x51: {  	[spmem:s2] =	stream.indirect.scatter.add.bf16 [tilespmem:s20], [sflag:$0x7], $0x20, s21, s17, $0xb8;
	[tilespmem:$0xE400] =	vst v63  }
0x52: {  	_ =	swait.ge [sflag:s29], $0x1000  }
0x53: {  	[sflag:s29] =	ssyncset.done $0x0  }
0x54: {  	s1 =	simm.s32 $0x300;
	[sflag:s29] =	ssyncadd.s32 $0xFFFFF000  }
0x55: {  	[tilespmem:s20], [sflag:$0x3] =	stream.indirect.gather [hbm4b:s4+s17], $0x20, s1, s17, $0xb8;
	[tilespmem:$0xE400] =	vst v63  }
0x56: {  	_ =	swait.ge [sflag:s30], $0x1000  }
0x57: {  	[sflag:s30] =	ssyncset.done $0x0  }
0x58: {  	s21 =	simm.s32 $0x2B80;
	[sflag:s30] =	ssyncadd.s32 $0xFFFFF000  }
0x59: {  	[spmem:s2] =	stream.indirect.scatter.add.bf16 [tilespmem:s22], [sflag:$0x8], $0x20, s21, s17, $0xb8;
	[tilespmem:$0xE400] =	vst v63  }
0x5a: {  	_ =	swait.ge [sflag:s31], $0x1000  }
0x5b: {  	[sflag:s31] =	ssyncset.done $0x0  }
0x5c: {  	s1 =	simm.s32 $0x380;
	s21 =	simm.s32 $0x800;
	[sflag:s31] =	ssyncadd.s32 $0xFFFFF000  }
.LBB2_4:
0x5d: {  	[tilespmem:s22], [sflag:$0x4] =	stream.indirect.gather [hbm4b:s4+s17], $0x20, s1, s17, $0xb8;
	[tilespmem:$0xE400] =	vst v63  }
0x5e: {  	s0 =	smov.u32 s21  }
0x5f: {  	p0 =	sne.s32 s21, $0x9800;
	s21 =	sadd.s32 $0x800, s21;
	_ =	swait.ge [sflag:s23], $0x1000  }
0x60: {  	s1 =	sshra.s32 s0, $0x2;
	[sflag:s23] =	ssyncset.done $0x0  }
0x61: {  	s0 =	sadd.s32 $0x2A00, s1;
	[sflag:s23] =	ssyncadd.s32 $0xFFFFF000  }
0x62: {  	[spmem:s2] =	stream.indirect.scatter.add.bf16 [tilespmem:s14], [sflag:$0x5], $0x20, s0, s17, $0xb8;
	[tilespmem:$0xE400] =	vst v63  }
0x63: {  	_ =	swait.ge [sflag:s24], $0x1000  }
0x64: {  	[sflag:s24] =	ssyncset.done $0x0  }
0x65: {  	s0 =	sadd.s32 $0x200, s1;
	[sflag:s24] =	ssyncadd.s32 $0xFFFFF000  }
0x66: {  	[tilespmem:s14], [sflag:$0x1] =	stream.indirect.gather [hbm4b:s4+s17], $0x20, s0, s17, $0xb8;
	[tilespmem:$0xE400] =	vst v63  }
0x67: {  	_ =	swait.ge [sflag:s25], $0x1000  }
0x68: {  	[sflag:s25] =	ssyncset.done $0x0  }
0x69: {  	s0 =	sadd.s32 $0x2A80, s1;
	[sflag:s25] =	ssyncadd.s32 $0xFFFFF000  }
0x6a: {  	[spmem:s2] =	stream.indirect.scatter.add.bf16 [tilespmem:s18], [sflag:$0x6], $0x20, s0, s17, $0xb8;
	[tilespmem:$0xE400] =	vst v63  }
0x6b: {  	_ =	swait.ge [sflag:s26], $0x1000  }
0x6c: {  	[sflag:s26] =	ssyncset.done $0x0  }
0x6d: {  	s0 =	sadd.s32 $0x280, s1;
	[sflag:s26] =	ssyncadd.s32 $0xFFFFF000  }
0x6e: {  	[tilespmem:s18], [sflag:$0x2] =	stream.indirect.gather [hbm4b:s4+s17], $0x20, s0, s17, $0xb8;
	[tilespmem:$0xE400] =	vst v63  }
0x6f: {  	_ =	swait.ge [sflag:s28], $0x1000  }
0x70: {  	[sflag:s28] =	ssyncset.done $0x0  }
0x71: {  	s0 =	sadd.s32 $0x2B00, s1;
	[sflag:s28] =	ssyncadd.s32 $0xFFFFF000  }
0x72: {  	[spmem:s2] =	stream.indirect.scatter.add.bf16 [tilespmem:s20], [sflag:$0x7], $0x20, s0, s17, $0xb8;
	[tilespmem:$0xE400] =	vst v63  }
0x73: {  	_ =	swait.ge [sflag:s29], $0x1000  }
0x74: {  	[sflag:s29] =	ssyncset.done $0x0  }
0x75: {  	s0 =	sadd.s32 $0x300, s1;
	[sflag:s29] =	ssyncadd.s32 $0xFFFFF000  }
0x76: {  	[tilespmem:s20], [sflag:$0x3] =	stream.indirect.gather [hbm4b:s4+s17], $0x20, s0, s17, $0xb8;
	[tilespmem:$0xE400] =	vst v63  }
0x77: {  	_ =	swait.ge [sflag:s30], $0x1000  }
0x78: {  	[sflag:s30] =	ssyncset.done $0x0  }
.Ltmp1:
0x79: {  	s0 =	sadd.s32 $0x2B80, s1;
	[sflag:s30] =	ssyncadd.s32 $0xFFFFF000;
	(pc) =	sbr.rel @p0 .LBB2_4-.Ltmp1, $4  }
0x7a: {  	[spmem:s2] =	stream.indirect.scatter.add.bf16 [tilespmem:s22], [sflag:$0x8], $0x20, s0, s17, $0xb8;
	[tilespmem:$0xE400] =	vst v63  }
0x7b: {  	_ =	swait.ge [sflag:s31], $0x1000  }
0x7c: {  	[sflag:s31] =	ssyncset.done $0x0  }
0x7d: {  	s1 =	sadd.s32 $0x380, s1;
	[sflag:s31] =	ssyncadd.s32 $0xFFFFF000  }
0x7e: {  	[tilespmem:s22], [sflag:$0x4] =	stream.indirect.gather [hbm4b:s4+s17], $0x20, s1, s17, $0xb8;
	[tilespmem:$0xE400] =	vst v63  }
0x7f: {  	_ =	swait.ge [sflag:s23], $0x1000  }
0x80: {  	[sflag:s23] =	ssyncset.done $0x0  }
0x81: {  	s0 =	simm.s32 $0x5200;
	[sflag:s23] =	ssyncadd.s32 $0xFFFFF000  }
0x82: {  	[spmem:s2] =	stream.indirect.scatter.add.bf16 [tilespmem:s14], [sflag:$0x5], $0x20, s0, s17, $0xb8;
	[tilespmem:$0xE400] =	vst v63  }
0x83: {  	_ =	swait.ge [sflag:s25], $0x1000  }
0x84: {  	[sflag:s25] =	ssyncset.done $0x0  }
0x85: {  	s21 =	simm.s32 $0x5280;
	[sflag:s25] =	ssyncadd.s32 $0xFFFFF000  }
0x86: {  	[spmem:s2] =	stream.indirect.scatter.add.bf16 [tilespmem:s18], [sflag:$0x6], $0x20, s21, s17, $0xb8;
	[tilespmem:$0xE400] =	vst v63  }
0x87: {  	_ =	swait.ge [sflag:s28], $0x1000  }
0x88: {  	[sflag:s28] =	ssyncset.done $0x0  }
0x89: {  	[sflag:s28] =	ssyncadd.s32 $0xFFFFF000  }
0x8a: {  	[spmem:s2] =	stream.indirect.scatter.add.bf16 [tilespmem:s20], [sflag:$0x7], $0x20, s16, s17, $0xb8;
	[tilespmem:$0xE400] =	vst v63  }
0x8b: {  	_ =	swait.ge [sflag:s30], $0x1000  }
0x8c: {  	[sflag:s30] =	ssyncset.done $0x0  }
0x8d: {  	[sflag:s30] =	ssyncadd.s32 $0xFFFFF000  }
0x8e: {  	[spmem:s2] =	stream.indirect.scatter.add.bf16 [tilespmem:s22], [sflag:$0x8], $0x20, s19, s17, $0xb8;
	[tilespmem:$0xE400] =	vst v63  }
0x8f: {  	_ =	swait.ge [sflag:s24], $0x1000  }
0x90: {  	[sflag:s24] =	ssyncset.done $0x0  }
0x91: {  	[sflag:s24] =	ssyncadd.s32 $0xFFFFF000  }
0x92: {  	_ =	swait.ge [sflag:s26], $0x1000  }
0x93: {  	[sflag:s26] =	ssyncset.done $0x0  }
0x94: {  	[sflag:s26] =	ssyncadd.s32 $0xFFFFF000  }
0x95: {  	_ =	swait.ge [sflag:s29], $0x1000  }
0x96: {  	[sflag:s29] =	ssyncset.done $0x0  }
0x97: {  	[sflag:s29] =	ssyncadd.s32 $0xFFFFF000  }
0x98: {  	s1 =	stileid.u32;
	_ =	swait.ge [sflag:s31], $0x1000  }
0x99: {  	s3 =	sadd.s32 $0x1, s3;
	s0 =	sshll.u32 s1, $0x6;
	[sflag:s31] =	ssyncset.done $0x0  }
0x9a: {  	p0 =	sne.s32 s3, s13;
	s0 =	sor.u32 $0x1C09, s0;
	[sflag:s31] =	ssyncadd.s32 $0xFFFFF000  }
.Ltmp2:
0x9b: {  	s21 =	sshrl.u32 s5, $0x3;
	[bflag:$0x0] =	sbarrier.arrive $0xFFFF;
	(pc) =	sbr.rel @p0 .LBB2_1-.Ltmp2, $4  }
0x9c: {  	[hbm:s12], [sflag:s0] =	dma.local [spmem:s21], $0xA00  }
0x9d: {  	_ =	swait.ge [sflag:s15], $0xA00  }
0x9e: {  	[sflag:s15] =	ssyncset.done $0x0  }
0x9f: {  	[sflag:s15] =	ssyncadd.s32 $0xFFFFF600  }
0xa0: {  	_ =	sfence.sel $0x180000  }
0xa1: {  	[bflag:$0x0] =	sbarrier.arrive $0xFFFF  }
0xa2: {  	_ =	strace $0x9000004A  }
0xa3: {  	s0 =	stileid.u32;
	[bflag:$0x2] =	sbarrier.arrive $0xFFFF  }
0xa4: {  	p0 =	sne.s32 s0, $0x0;
	s0 =	rddreg [dreg:$0x2]  }
0xa5: {  	s0 =	sadd.s32 @!p0 $0x100000, s0  }
0xa6: {  	[sflag:s0] =	ssyncadd.tile.s32 @!p0 $0x1;
	_ =	shalt  }
.Lfunc_end2:
_tile_overlayer_lowered:
.L_overlay_start_2:
0xa7: {  	(tag) =	ssettag $0x2  }
0xa8: {  	s0 =	rddreg [dreg:$0x0];
	s2 =	stileid.u32  }
0xa9: {  	s1 =	rddreg [dreg:$0x1];
	p0 =	sne.s32 s2, $0x0  }
0xaa: {  	s3 =	rddreg [dreg:$0x2];
	[bflag:$0x3] =	sbarrier.arrive $0xFFFF;
	s2 =	simm.s32 @!p0 $0x1C09  }
0xab: {  	[timem:s3], [sflag:s2] =	dma.local @!p0 [hbm:s0], s1  }
0xac: {  	s0 =	simm.s32 @!p0 $0x9  }
0xad: {  	_ =	swait.ge @!p0 [sflag:s0], s1  }
0xae: {  	s1 =	ssub.s32 @!p0 $0x0, s1;
	[sflag:s0] =	ssyncset.done @!p0 $0x0  }
0xaf: {  	[sflag:s0] =	ssyncadd.s32 @!p0 s1  }
0xb0: {  	[bflag:$0x3] =	sbarrier.arrive $0xFFFF  }
0xb1: {  	_ =	shalt  }

// kernel: kernel.15.cloned.1.call-start
scs
__scs_entry_jumppad:
0x0: {  	(pc) =	sbr.rel $0x88, $3  }
0x1: {  	(tag) =	ssettag $0x0;
	lr =	simm.s32 $0x1  }
0x2: {  	[smem:$0x3F97] =	sst lr;
	_ =	strace $0xD0000000  }
0x3: {  	_ = 	snop  }
0x4: {  	_ = 	snop  }
0x5: {  	_ = 	snop  }
0x6: {  	_ = 	snop  }
0x7: {  	_ = 	snop  }
__scs_overlays_trampoline_lowered:
0x8: {  	[smem:$0x3FA6] =	sst s0  }
0x9: {  	[smem:$0x3FA7] =	sst s1  }
0xa: {  	[smem:$0x3FA8] =	sst s2  }
0xb: {  	[smem:$0x3FA9] =	sst s3  }
0xc: {  	[smem:$0x3FAA] =	sst s4  }
0xd: {  	[smem:$0x3FAB] =	sst s5  }
0xe: {  	[smem:$0x3FAC] =	sst s6  }
0xf: {  	[smem:$0x3FAD] =	sst s7  }
0x10: {  	[smem:$0x3FAE] =	sst s8  }
0x11: {  	[smem:$0x3FAF] =	sst s9;
	s0 =	simm.s32 @!p0 $0x0  }
0x12: {  	s1 =	sld [smem:$0x3F95];
	s0 =	simm.s32 @p0 $0x1  }
0x13: {  	[smem:$0x3FB0] =	sst s0;
	s0 =	simm.s32 @!p1 $0x0  }
0x14: {  	s2 =	sld [smem:$0x3F94];
	s0 =	simm.s32 @p1 $0x1  }
0x15: {  	[smem:$0x3FB1] =	sst s0;
	s0 =	simm.s32 @!p2 $0x0  }
0x16: {  	s3 =	sld [smem:$0x3FDB];
	s0 =	simm.s32 @p2 $0x1  }
0x17: {  	s4 =	simm.s32 $0x1BF5;
	[smem:$0x3FB3] =	sst s0  }
0x18: {  	s0 =	sld [smem:$0x3F96];
	_ =	swait.ge [sflag:s4], $0x0  }
0x19: {  	s7 =	sld [smem:$0x3F97]  }
0x1a: {  	s8 =	sadd.s32 $0xFFFFE003, lr  }
0x1b: {  	s9 =	sadd.s32 $0xFFFFFEF7, lr;
	s5 =	simm.s32 $0xFFFFFFFF;
	p2 =	slt.u32 s8, $0xFFFFF086  }
0x1c: {  	p1 =	slt.u32 s9, $0xF7A;
	s5 =	simm.s32 @!p2 $0x0  }
0x1d: {  	s5 =	simm.s32 @p1 $0x1;
	p0 =	seq.s32 s7, s2  }
0x1e: {  	s7 =	smul.u32 @!p0 $0xF7A, s2;
	p2 =	seq.s32 @!p0 s5, $0x0  }
0x1f: {  	s9 =	smul.u32 $0xF7A, s1;
	s8 =	simm.s32 @!p0 $0x1BF5;
	p2 =	por !p2, p0  }
0x20: {  	[sflag:s8] =	ssyncset.s32 @!p0 $0xFFFFF086;
	s6 =	sadd.s32 @!p0 s3, s7;
	s7 =	simm.s32 @!p0 $0x108  }
0x21: {  	s3 =	sadd.s32 s3, s9;
	s6 =	sadd.s32 @!p0 $0x88, s6;
	s7 =	simm.s32 @p2 $0x1082  }
0x22: {  	[simem:s7], [sflag:s8] =	dma.local @!p0 [hbm:s6], $0xF7A  }
0x23: {  	s9 =	sor.u32 $0xD0000000, s2;
	s6 =	simm.s32 $0x108;
	_ =	swait.ge @!p0 [sflag:s8], $0x0  }
0x24: {  	s3 =	sadd.s32 $0x88, s3;
	s6 =	simm.s32 @!p1 $0x1082;
	[sflag:s4] =	ssyncset.s32 $0xFFFFF086  }
0x25: {  	[simem:s6], [sflag:s4] =	dma.local [hbm:s3], $0xF7A  }
0x26: {  	[smem:$0x3F97] =	sst s1;
	(tag) =	ssettag s2;
	_ =	strace s9  }
0x27: {  	s1 =	sld [smem:$0x3FA7]  }
0x28: {  	s2 =	sld [smem:$0x3FA8]  }
0x29: {  	s4 =	sld [smem:$0x3FAA]  }
0x2a: {  	p0 =	seq.s32 s5, $0x0;
	s5 =	sld [smem:$0x3FAB]  }
0x2b: {  	s6 =	sld [smem:$0x3FAC]  }
0x2c: {  	s7 =	sld [smem:$0x3FAD]  }
0x2d: {  	s3 =	simm.s32 $0x108;
	s8 =	sld [smem:$0x3FAE]  }
0x2e: {  	s3 =	simm.s32 @!p0 $0x1082;
	s9 =	sld [smem:$0x3FAF]  }
0x2f: {  	lr =	sadd.s32 s0, s3;
	s0 =	sld [smem:$0x3FA6]  }
0x30: {  	s3 =	sld [smem:$0x3FA9]  }
0x31: {  	[smem:$0x3FB2] =	sst s10  }
0x32: {  	s10 =	sld [smem:$0x3FB0];
	_ =	sdelay $0x3  }
0x33: {  	p0 =	seq.s32 s10, $0x1;
	s10 =	sld [smem:$0x3FB2];
	_ =	sdelay $0x3  }
0x34: {  	[smem:$0x3FB2] =	sst s10  }
0x35: {  	s10 =	sld [smem:$0x3FB1];
	_ =	sdelay $0x3  }
0x36: {  	p1 =	seq.s32 s10, $0x1;
	s10 =	sld [smem:$0x3FB2];
	_ =	sdelay $0x3  }
0x37: {  	[smem:$0x3FB2] =	sst s10  }
0x38: {  	s10 =	sld [smem:$0x3FB3]  }
0x39: {  	_ = 	snop;
	(pc) =	sbr.ind lr, $3  }
0x3a: {  	_ = 	snop  }
0x3b: {  	_ = 	snop  }
0x3c: {  	p2 =	seq.s32 s10, $0x1;
	s10 =	sld [smem:$0x3FB2]  }
0x3d: {  	_ =	shalt  }
0x3e: {  	_ =	shalt  }
0x3f: {  	_ =	shalt  }
0x40: {  	_ =	shalt  }
0x41: {  	_ =	shalt  }
0x42: {  	_ =	shalt  }
0x43: {  	_ =	shalt  }
0x44: {  	_ =	shalt  }
0x45: {  	_ =	shalt  }
0x46: {  	_ =	shalt  }
0x47: {  	_ =	shalt  }
0x48: {  	_ =	shalt  }
0x49: {  	_ =	shalt  }
0x4a: {  	_ =	shalt  }
0x4b: {  	_ =	shalt  }
0x4c: {  	_ =	shalt  }
0x4d: {  	_ =	shalt  }
0x4e: {  	_ =	shalt  }
0x4f: {  	_ =	shalt  }
0x50: {  	_ =	shalt  }
0x51: {  	_ =	shalt  }
0x52: {  	_ =	shalt  }
0x53: {  	_ =	shalt  }
0x54: {  	_ =	shalt  }
0x55: {  	_ =	shalt  }
0x56: {  	_ =	shalt  }
0x57: {  	_ =	shalt  }
0x58: {  	_ =	shalt  }
0x59: {  	_ =	shalt  }
0x5a: {  	_ =	shalt  }
0x5b: {  	_ =	shalt  }
0x5c: {  	_ =	shalt  }
0x5d: {  	_ =	shalt  }
0x5e: {  	_ =	shalt  }
0x5f: {  	_ =	shalt  }
0x60: {  	_ =	shalt  }
0x61: {  	_ =	shalt  }
0x62: {  	_ =	shalt  }
0x63: {  	_ =	shalt  }
0x64: {  	_ =	shalt  }
0x65: {  	_ =	shalt  }
0x66: {  	_ =	shalt  }
0x67: {  	_ =	shalt  }
0x68: {  	_ =	shalt  }
0x69: {  	_ =	shalt  }
0x6a: {  	_ =	shalt  }
0x6b: {  	_ =	shalt  }
0x6c: {  	_ =	shalt  }
0x6d: {  	_ =	shalt  }
0x6e: {  	_ =	shalt  }
0x6f: {  	_ =	shalt  }
0x70: {  	_ =	shalt  }
0x71: {  	_ =	shalt  }
0x72: {  	_ =	shalt  }
0x73: {  	_ =	shalt  }
0x74: {  	_ =	shalt  }
0x75: {  	_ =	shalt  }
0x76: {  	_ =	shalt  }
0x77: {  	_ =	shalt  }
0x78: {  	_ =	shalt  }
0x79: {  	_ =	shalt  }
0x7a: {  	_ =	shalt  }
0x7b: {  	_ =	shalt  }
0x7c: {  	_ =	shalt  }
0x7d: {  	_ =	shalt  }
0x7e: {  	_ =	shalt  }
0x7f: {  	_ =	shalt  }
0x80: {  	_ =	shalt  }
0x81: {  	_ =	shalt  }
0x82: {  	_ =	shalt  }
0x83: {  	_ =	shalt  }
0x84: {  	_ =	shalt  }
0x85: {  	_ =	shalt  }
0x86: {  	_ =	shalt  }
0x87: {  	_ =	shalt  }
.Lfunc_end0:
.L_simem_size_0:
called_computation.2_lowered:
.L_overlay_start_0:
0x88: {  	s2 =	sld [smem:$0x3FD9]  }
0x89: {  	s3 =	sld [smem:$0x3FFE];
	_ =	sdelay $0x1  }
0x8a: {  	s1 =	srdreg.scid  }
0x8b: {  	s0 =	sand.u32 $0x1, s1  }
0x8c: {  	s17 =	sshll.u32 s0, $0xA;
	s2 =	sadd.s32 s3, s2  }
0x8d: {  	s2 =	sadd.s32 s2, s17  }
0x8e: {  	[smem:$0x3FBE] =	sst s2  }
0x8f: {  	_ = 	snop  }
0x90: {  	s2 =	sld [smem:$0x3FD0];
	(tm) =	ssettm $0x1  }
0x91: {  	s18 =	sld [smem:$0x3FFB];
	_ =	sdelay $0x3  }
0x92: {  	_ =	strace s18  }
0x93: {  	s3 =	sld [smem:$0x3FFC];
	_ =	sdelay $0x3  }
0x94: {  	_ =	strace s3  }
0x95: {  	s3 =	sld [smem:$0x3FFD];
	_ =	sdelay $0x3  }
0x96: {  	_ =	strace s3  }
0x97: {  	_ =	strace $0x8FFFFFFF  }
0x98: {  	s19 =	sld [smem:$0x3FDB];
	_ =	sdelay $0x1  }
0x99: {  	s4 =	simm.s32 $_scs_section_size  }
0x9a: {  	s5 =	simm.s32 $_size__tile_overlayer_lowered;
	s6 =	simm.s32 $_tile_overlayer_lowered  }
0x9b: {  	s22 =	simm.s32 $0x1BFF;
	s21 =	sshll.u32 s6, $0x1;
	s3 =	sadd.s32 s4, s19  }
0x9c: {  	s7 =	simm.s32 $0x0;
	s20 =	sshll.u32 s5, $0x1;
	s5 =	sadd.s32 s21, s3  }
0x9d: {  	[timem:s7], [sflag:s22] =	dma.local [hbm:s5], s20  }
0x9e: {  	_ =	swait.ge [sflag:s22], s20  }
0x9f: {  	s4 =	ssub.s32 $0x0, s20;
	[sflag:s22] =	ssyncset.done $0x0  }
0xa0: {  	[sflag:s22] =	ssyncadd.s32 s4;
	_ =	sdelay $0x1  }
0xa1: {  	s23 =	simm.s32 $0x1B8B  }
0xa2: {  	_ =	swait.ge [sflag:s23], $0x1  }
0xa3: {  	[sflag:s23] =	ssyncset.done $0x0  }
0xa4: {  	s25 =	simm.s32 $0x1B8E;
	s24 =	sld [smem:$0x3FFE];
	[sflag:s23] =	ssyncadd.s32 $0xFFFFFFFF  }
0xa5: {  	s26 =	simm.s32 $execute0_lowered;
	[smem:$0x3FD2] =	sst s25  }
0xa6: {  	s5 =	sshll.u32 s26, $0x1;
	_ =	strace $0x8000004C;
	[dreg:$0x1] =	wrdreg $0xFFFFFFFF  }
0xa7: {  	s28 =	simm.s32 $_size_execute0_lowered;
	s3 =	sadd.s32 s3, s5;
	[dreg:$0x0] =	wrdreg $0x0  }
0xa8: {  	s5 =	sshll.u32 s28, $0x1;
	[dreg:$0x2] =	wrdreg s3  }
0xa9: {  	[dreg:$0x3] =	wrdreg s5  }
0xaa: {  	[dreg:$0x4] =	wrdreg $0xC0  }
0xab: {  	_ =	task [dreg:s7], $0x5FFFF  }
0xac: {  	[dreg:$0x1] =	wrdreg $0xFFFFFFFF  }
0xad: {  	[dreg:$0x0] =	wrdreg $0x60  }
0xae: {  	[dreg:$0x2] =	wrdreg s24  }
0xaf: {  	[dreg:$0x3] =	wrdreg s2  }
0xb0: {  	[dreg:$0x4] =	wrdreg $0x9  }
0xb1: {  	_ =	task.clear_ibuf [dreg:s7], $0x5FFFF;
	_ =	strace $0x9000004C  }
0xb2: {  	s29 =	simm.s32 $0x9;
	_ =	strace $0x8000004E  }
0xb3: {  	_ =	swait.ge [sflag:s29], $0x1  }
0xb4: {  	[sflag:s29] =	ssyncadd.s32 $0xFFFFFFFF  }
0xb5: {  	_ =	strace $0x9000004E  }
0xb6: {  	_ =	sfence  }
0xb7: {  	s30 =	sld [smem:$0x0];
	_ =	sdelay $0x2  }
0xb8: {  	s31 =	sshll.u32 s1, $0xD;
	s1 =	sshrl.u32 s1, $0x2  }
0xb9: {  	s3 =	sand.u32 $0x4000, s31;
	s1 =	sadd.s32 s1, s30  }
0xba: {  	s0 =	sor.u32 s3, s0;
	s1 =	sshll.u32 s1, $0x11  }
0xbb: {  	s0 =	sor.u32 s1, s0  }
0xbc: {  	s0 =	sadd.s32 $0x8F2B, s0  }
0xbd: {  	[sflag:s0] =	ssyncadd.remote.s32 $0x1  }
0xbe: {  	_ =	sfence.sel $0xFFFF  }
0xbf: {  	[dreg:$0x0] =	wrdreg $0xFFFFFFFF;
	(pc) =	sbr.abs _section_cstart, $3  }
0xc0: {  	[dreg:$0x1] =	wrdreg $0xFFFFFFFF  }
0xc1: {  	_ =	task.clear_ibuf [dreg:s7], $0x2FFFF;
	_ =	strace $0x9FFFFFFF  }
0xc2: {  	(tm) =	ssettm $0x7FFFFFFF  }
0xc3: {  	_ =	shalt  }
tec
execute0_lowered:
.L_overlay_start_1:
0x0: {  	(tag) =	ssettag $0x1  }
0x1: {  	s4 =	rddreg [dreg:$0x0];
	s1 =	srdreg.scid  }
0x2: {  	s0 =	stileid.u32;
	s2 =	rddreg [dreg:$0x1];
	s9 =	simm.s32 $0x2C00  }
0x3: {  	s10 =	simm.s32 $0x5800;
	s11 =	simm.s32 $0x8000;
	s12 =	simm.s32 $0x80  }
0x4: {  	s13 =	simm.s32 $0x400;
	s14 =	simm.s32 $0x0;
	s5 =	sand.u32 $0x1, s1  }
0x5: {  	s3 =	sshll.u32 s0, $0x1;
	s1 =	rddreg [dreg:$0x2];
	s7 =	sshrl.u32 s0, $0x2  }
0x6: {  	s6 =	sor.u32 s5, s3;
	s3 =	simm.s32 $0x0;
	s7 =	smul.u32 $0x14000, s7  }
0x7: {  	s5 =	ssub.s32 $0x2, s5;
	s8 =	sshll.u32 s6, $0x7;
	s6 =	smul.u32 $0x2C00, s6  }
0x8: {  	[smem:$0x7FF] =	sst s3;
	s30 =	sshrl.u32 s5, $0x1;
	s8 =	sand.u32 $0x380, s8  }
0x9: {  	_ =	strace $0x8000004D;
	s7 =	sor.u32 s7, s8;
	s6 =	sshrl.u32 s6, $0x3  }
0xa: {  	s31 =	ssub.s32 s5, s30;
	s7 =	sshrl.u32 s7, $0x3;
	s6 =	sadd.s32 s6, s4  }
0xb: {  	s8 =	simm.s32 $0x1;
	s7 =	sadd.s32 s7, s4;
	s4 =	sadd.s32 $0x2E00, s6  }
0xc: {  	v0 =	vimm.f32 $0.0e+00;
	s5 =	sadd.s32 $0xDE00, s6;
	s6 =	sadd.s32 $0x18E00, s7;
	s7 =	smax.u32 s31, $0x1  }
.LBB2_1:
0xd: {  	[tilespmem:s3], [sflag:$0x1] =	stream.linear.gather [hbm4b:s4+s3], $0x2A00, $0x38;
	[tilespmem:$0xA800] =	vst v63  }
0xe: {  	_ =	swait.ge [sflag:s8], $0x2A00  }
0xf: {  	[sflag:s8] =	ssyncset.done $0x0  }
0x10: {  	[sflag:s8] =	ssyncadd.s32 $0xFFFFD600  }
0x11: {  	[tilespmem:s9], [sflag:$0x1] =	stream.linear.gather [hbm4b:s5+s3], $0x2A00, $0x38;
	[tilespmem:$0xA800] =	vst v63  }
0x12: {  	_ =	swait.ge [sflag:s8], $0x2A00  }
0x13: {  	[sflag:s8] =	ssyncset.done $0x0  }
0x14: {  	[sflag:s8] =	ssyncadd.s32 $0xFFFFD600  }
0x15: {  	[tilespmem:s10], [sflag:$0x1] =	stream.linear.gather [hbm4b:s2+s3], $0x2800, $0x38;
	[tilespmem:$0xA800] =	vst v63  }
0x16: {  	_ =	swait.ge [sflag:s8], $0x2800  }
0x17: {  	[sflag:s8] =	ssyncset.done $0x0  }
0x18: {  	s15 =	simm.s32 $0x0;
	s16 =	simm.s32 $0x200;
	[sflag:s8] =	ssyncadd.s32 $0xFFFFD800  }
.LBB2_2:
0x19: {  	p0 =	sne.s32 s16, $0x9E00;
	[tilespmem:s15+$0x8070] =	vst v0  }
0x1a: {  	[tilespmem:s15+$0x8000] =	vst v0  }
0x1b: {  	[tilespmem:s15+$0x8010] =	vst v0  }
.Ltmp0:
0x1c: {  	[tilespmem:s15+$0x8020] =	vst v0;
	(pc) =	sbr.rel @p0 .LBB2_2-.Ltmp0, $4  }
0x1d: {  	[tilespmem:s15+$0x8030] =	vst v0  }
0x1e: {  	[tilespmem:s15+$0x8040] =	vst v0  }
0x1f: {  	[tilespmem:s15+$0x8050] =	vst v0  }
0x20: {  	[tilespmem:s15+$0x8060] =	vst v0;
	s15 =	sshra.s32 s16, $0x2;
	s16 =	sadd.s32 $0x200, s16  }
0x21: {  	[tilespmem:s15+$0x8070] =	vst v0  }
0x22: {  	[tilespmem:s15+$0x8000] =	vst v0  }
0x23: {  	[tilespmem:s15+$0x8010] =	vst v0  }
0x24: {  	[tilespmem:s15+$0x8020] =	vst v0  }
0x25: {  	[tilespmem:s15+$0x8030] =	vst v0  }
0x26: {  	[tilespmem:s15+$0x8040] =	vst v0  }
0x27: {  	[tilespmem:s15+$0x8050] =	vst v0  }
0x28: {  	[tilespmem:s15+$0x8060] =	vst v0;
	s15 =	simm.s32 $0x0  }
.LBB2_4:
0x29: {  	s16 =	sshra.s32 s15, $0x2  }
0x2a: {  	v1 =	vld [tilespmem:s16+$0x0];
	_ =	sdelay $0x4  }
0x2b: {  	v2 =	vld [tilespmem:s16+$0x2C00];
	_ =	sdelay $0x2  }
0x2c: {  	v1 =	vld.idx.msk [tilespmem:v1+s10+$0x0], $0xffff;
	_ =	sdelay $0x4  }
0x2d: {  	[tilespmem:v2+s11+$0x0] =	vst.idx.add.f32.msk $0xffff, v1  }
0x2e: {  	v1 =	vld [tilespmem:s16+$0x10];
	_ =	sdelay $0x4  }
0x2f: {  	v2 =	vld [tilespmem:s16+$0x2C10];
	_ =	sdelay $0x2  }
0x30: {  	v1 =	vld.idx.msk [tilespmem:v1+s10+$0x0], $0xffff;
	_ =	sdelay $0x4  }
0x31: {  	[tilespmem:v2+s11+$0x0] =	vst.idx.add.f32.msk $0xffff, v1  }
0x32: {  	v1 =	vld [tilespmem:s16+$0x20];
	_ =	sdelay $0x4  }
0x33: {  	v2 =	vld [tilespmem:s16+$0x2C20];
	_ =	sdelay $0x2  }
0x34: {  	v1 =	vld.idx.msk [tilespmem:v1+s10+$0x0], $0xffff;
	_ =	sdelay $0x4  }
0x35: {  	[tilespmem:v2+s11+$0x0] =	vst.idx.add.f32.msk $0xffff, v1  }
0x36: {  	v1 =	vld [tilespmem:s16+$0x30];
	_ =	sdelay $0x4  }
0x37: {  	v2 =	vld [tilespmem:s16+$0x2C30];
	_ =	sdelay $0x2  }
0x38: {  	v1 =	vld.idx.msk [tilespmem:v1+s10+$0x0], $0xffff;
	_ =	sdelay $0x4  }
0x39: {  	[tilespmem:v2+s11+$0x0] =	vst.idx.add.f32.msk $0xffff, v1  }
0x3a: {  	v1 =	vld [tilespmem:s16+$0x40];
	_ =	sdelay $0x4  }
0x3b: {  	v2 =	vld [tilespmem:s16+$0x2C40];
	_ =	sdelay $0x2  }
0x3c: {  	v1 =	vld.idx.msk [tilespmem:v1+s10+$0x0], $0xffff;
	_ =	sdelay $0x4  }
0x3d: {  	[tilespmem:v2+s11+$0x0] =	vst.idx.add.f32.msk $0xffff, v1  }
0x3e: {  	v1 =	vld [tilespmem:s16+$0x50];
	_ =	sdelay $0x4  }
0x3f: {  	v2 =	vld [tilespmem:s16+$0x2C50];
	_ =	sdelay $0x2  }
0x40: {  	v1 =	vld.idx.msk [tilespmem:v1+s10+$0x0], $0xffff;
	_ =	sdelay $0x4  }
0x41: {  	[tilespmem:v2+s11+$0x0] =	vst.idx.add.f32.msk $0xffff, v1  }
0x42: {  	v1 =	vld [tilespmem:s16+$0x60];
	_ =	sdelay $0x4  }
0x43: {  	v2 =	vld [tilespmem:s16+$0x2C60];
	_ =	sdelay $0x2  }
0x44: {  	v1 =	vld.idx.msk [tilespmem:v1+s10+$0x0], $0xffff;
	_ =	sdelay $0x4  }
0x45: {  	[tilespmem:v2+s11+$0x0] =	vst.idx.add.f32.msk $0xffff, v1  }
0x46: {  	v1 =	vld [tilespmem:s16+$0x70];
	_ =	sdelay $0x4  }
0x47: {  	v2 =	vld [tilespmem:s16+$0x2C70];
	_ =	sdelay $0x2  }
0x48: {  	p0 =	sne.s32 s15, $0xA600;
	v1 =	vld.idx.msk [tilespmem:v1+s10+$0x0], $0xffff  }
.Ltmp1:
0x49: {  	_ = 	snop;
	(pc) =	sbr.rel @p0 .LBB2_4-.Ltmp1, $2  }
0x4a: {  	_ =	sdelay $0x2  }
0x4b: {  	s15 =	sadd.s32 $0x200, s15;
	[tilespmem:v2+s11+$0x0] =	vst.idx.add.f32.msk $0xffff, v1  }
0x4c: {  	s14 =	sadd.s32 $0x1, s14  }
0x4d: {  	p0 =	sne.s32 s14, s7  }
.Ltmp2:
0x4e: {  	_ = 	snop;
	(pc) =	sbr.rel @p0 .LBB2_1-.Ltmp2, $4  }
0x4f: {  	[hbm4b:s6+s12] =	stream.strided.scatter [tilespmem:s11], [sflag:$0x1], $0x2800, s13, s12, $0x38;
	[tilespmem:$0xA800] =	vst v63  }
0x50: {  	_ =	swait.ge [sflag:s8], $0x2800  }
0x51: {  	[sflag:s8] =	ssyncset.done $0x0  }
0x52: {  	[sflag:s8] =	ssyncadd.s32 $0xFFFFD800  }
0x53: {  	_ =	sfence.sel $0x180000  }
0x54: {  	[bflag:$0x0] =	sbarrier.arrive $0xFFFF  }
0x55: {  	p0 =	sne.s32 s0, $0x0;
	_ =	strace $0x9000004D  }
0x56: {  	s0 =	sadd.s32 @!p0 $0x100000, s1;
	[bflag:$0x2] =	sbarrier.arrive $0xFFFF  }
0x57: {  	[sflag:s0] =	ssyncadd.tile.s32 @!p0 $0x1;
	_ =	shalt  }
.Lfunc_end2:
_tile_overlayer_lowered:
.L_overlay_start_2:
0x58: {  	(tag) =	ssettag $0x2  }
0x59: {  	s0 =	rddreg [dreg:$0x0];
	s2 =	stileid.u32  }
0x5a: {  	s1 =	rddreg [dreg:$0x1];
	p0 =	sne.s32 s2, $0x0  }
0x5b: {  	s3 =	rddreg [dreg:$0x2];
	[bflag:$0x3] =	sbarrier.arrive $0xFFFF;
	s2 =	simm.s32 @!p0 $0x1C01  }
0x5c: {  	[timem:s3], [sflag:s2] =	dma.local @!p0 [hbm:s0], s1  }
0x5d: {  	s0 =	simm.s32 @!p0 $0x1  }
0x5e: {  	_ =	swait.ge @!p0 [sflag:s0], s1  }
0x5f: {  	s1 =	ssub.s32 @!p0 $0x0, s1;
	[sflag:s0] =	ssyncset.done @!p0 $0x0  }
0x60: {  	[sflag:s0] =	ssyncadd.s32 @!p0 s1  }
0x61: {  	[bflag:$0x3] =	sbarrier.arrive $0xFFFF  }
0x62: {  	_ =	shalt  }

// kernel: kernel.9.cloned.1.call-start
scs
__scs_entry_jumppad:
0x0: {  	(pc) =	sbr.rel $0x88, $3  }
0x1: {  	(tag) =	ssettag $0x0;
	lr =	simm.s32 $0x1  }
0x2: {  	[smem:$0x3F97] =	sst lr;
	_ =	strace $0xD0000000  }
0x3: {  	_ = 	snop  }
0x4: {  	_ = 	snop  }
0x5: {  	_ = 	snop  }
0x6: {  	_ = 	snop  }
0x7: {  	_ = 	snop  }
__scs_overlays_trampoline_lowered:
0x8: {  	[smem:$0x3FA6] =	sst s0  }
0x9: {  	[smem:$0x3FA7] =	sst s1  }
0xa: {  	[smem:$0x3FA8] =	sst s2  }
0xb: {  	[smem:$0x3FA9] =	sst s3  }
0xc: {  	[smem:$0x3FAA] =	sst s4  }
0xd: {  	[smem:$0x3FAB] =	sst s5  }
0xe: {  	[smem:$0x3FAC] =	sst s6  }
0xf: {  	[smem:$0x3FAD] =	sst s7  }
0x10: {  	[smem:$0x3FAE] =	sst s8  }
0x11: {  	[smem:$0x3FAF] =	sst s9;
	s0 =	simm.s32 @!p0 $0x0  }
0x12: {  	s1 =	sld [smem:$0x3F95];
	s0 =	simm.s32 @p0 $0x1  }
0x13: {  	[smem:$0x3FB0] =	sst s0;
	s0 =	simm.s32 @!p1 $0x0  }
0x14: {  	s2 =	sld [smem:$0x3F94];
	s0 =	simm.s32 @p1 $0x1  }
0x15: {  	[smem:$0x3FB1] =	sst s0;
	s0 =	simm.s32 @!p2 $0x0  }
0x16: {  	s3 =	sld [smem:$0x3FDB];
	s0 =	simm.s32 @p2 $0x1  }
0x17: {  	s4 =	simm.s32 $0x1BF5;
	[smem:$0x3FB3] =	sst s0  }
0x18: {  	s0 =	sld [smem:$0x3F96];
	_ =	swait.ge [sflag:s4], $0x0  }
0x19: {  	s7 =	sld [smem:$0x3F97]  }
0x1a: {  	s8 =	sadd.s32 $0xFFFFE003, lr  }
0x1b: {  	s9 =	sadd.s32 $0xFFFFFEF7, lr;
	s5 =	simm.s32 $0xFFFFFFFF;
	p2 =	slt.u32 s8, $0xFFFFF086  }
0x1c: {  	p1 =	slt.u32 s9, $0xF7A;
	s5 =	simm.s32 @!p2 $0x0  }
0x1d: {  	s5 =	simm.s32 @p1 $0x1;
	p0 =	seq.s32 s7, s2  }
0x1e: {  	s7 =	smul.u32 @!p0 $0xF7A, s2;
	p2 =	seq.s32 @!p0 s5, $0x0  }
0x1f: {  	s9 =	smul.u32 $0xF7A, s1;
	s8 =	simm.s32 @!p0 $0x1BF5;
	p2 =	por !p2, p0  }
0x20: {  	[sflag:s8] =	ssyncset.s32 @!p0 $0xFFFFF086;
	s6 =	sadd.s32 @!p0 s3, s7;
	s7 =	simm.s32 @!p0 $0x108  }
0x21: {  	s3 =	sadd.s32 s3, s9;
	s6 =	sadd.s32 @!p0 $0x88, s6;
	s7 =	simm.s32 @p2 $0x1082  }
0x22: {  	[simem:s7], [sflag:s8] =	dma.local @!p0 [hbm:s6], $0xF7A  }
0x23: {  	s9 =	sor.u32 $0xD0000000, s2;
	s6 =	simm.s32 $0x108;
	_ =	swait.ge @!p0 [sflag:s8], $0x0  }
0x24: {  	s3 =	sadd.s32 $0x88, s3;
	s6 =	simm.s32 @!p1 $0x1082;
	[sflag:s4] =	ssyncset.s32 $0xFFFFF086  }
0x25: {  	[simem:s6], [sflag:s4] =	dma.local [hbm:s3], $0xF7A  }
0x26: {  	[smem:$0x3F97] =	sst s1;
	(tag) =	ssettag s2;
	_ =	strace s9  }
0x27: {  	s1 =	sld [smem:$0x3FA7]  }
0x28: {  	s2 =	sld [smem:$0x3FA8]  }
0x29: {  	s4 =	sld [smem:$0x3FAA]  }
0x2a: {  	p0 =	seq.s32 s5, $0x0;
	s5 =	sld [smem:$0x3FAB]  }
0x2b: {  	s6 =	sld [smem:$0x3FAC]  }
0x2c: {  	s7 =	sld [smem:$0x3FAD]  }
0x2d: {  	s3 =	simm.s32 $0x108;
	s8 =	sld [smem:$0x3FAE]  }
0x2e: {  	s3 =	simm.s32 @!p0 $0x1082;
	s9 =	sld [smem:$0x3FAF]  }
0x2f: {  	lr =	sadd.s32 s0, s3;
	s0 =	sld [smem:$0x3FA6]  }
0x30: {  	s3 =	sld [smem:$0x3FA9]  }
0x31: {  	[smem:$0x3FB2] =	sst s10  }
0x32: {  	s10 =	sld [smem:$0x3FB0];
	_ =	sdelay $0x3  }
0x33: {  	p0 =	seq.s32 s10, $0x1;
	s10 =	sld [smem:$0x3FB2];
	_ =	sdelay $0x3  }
0x34: {  	[smem:$0x3FB2] =	sst s10  }
0x35: {  	s10 =	sld [smem:$0x3FB1];
	_ =	sdelay $0x3  }
0x36: {  	p1 =	seq.s32 s10, $0x1;
	s10 =	sld [smem:$0x3FB2];
	_ =	sdelay $0x3  }
0x37: {  	[smem:$0x3FB2] =	sst s10  }
0x38: {  	s10 =	sld [smem:$0x3FB3]  }
0x39: {  	_ = 	snop;
	(pc) =	sbr.ind lr, $3  }
0x3a: {  	_ = 	snop  }
0x3b: {  	_ = 	snop  }
0x3c: {  	p2 =	seq.s32 s10, $0x1;
	s10 =	sld [smem:$0x3FB2]  }
0x3d: {  	_ =	shalt  }
0x3e: {  	_ =	shalt  }
0x3f: {  	_ =	shalt  }
0x40: {  	_ =	shalt  }
0x41: {  	_ =	shalt  }
0x42: {  	_ =	shalt  }
0x43: {  	_ =	shalt  }
0x44: {  	_ =	shalt  }
0x45: {  	_ =	shalt  }
0x46: {  	_ =	shalt  }
0x47: {  	_ =	shalt  }
0x48: {  	_ =	shalt  }
0x49: {  	_ =	shalt  }
0x4a: {  	_ =	shalt  }
0x4b: {  	_ =	shalt  }
0x4c: {  	_ =	shalt  }
0x4d: {  	_ =	shalt  }
0x4e: {  	_ =	shalt  }
0x4f: {  	_ =	shalt  }
0x50: {  	_ =	shalt  }
0x51: {  	_ =	shalt  }
0x52: {  	_ =	shalt  }
0x53: {  	_ =	shalt  }
0x54: {  	_ =	shalt  }
0x55: {  	_ =	shalt  }
0x56: {  	_ =	shalt  }
0x57: {  	_ =	shalt  }
0x58: {  	_ =	shalt  }
0x59: {  	_ =	shalt  }
0x5a: {  	_ =	shalt  }
0x5b: {  	_ =	shalt  }
0x5c: {  	_ =	shalt  }
0x5d: {  	_ =	shalt  }
0x5e: {  	_ =	shalt  }
0x5f: {  	_ =	shalt  }
0x60: {  	_ =	shalt  }
0x61: {  	_ =	shalt  }
0x62: {  	_ =	shalt  }
0x63: {  	_ =	shalt  }
0x64: {  	_ =	shalt  }
0x65: {  	_ =	shalt  }
0x66: {  	_ =	shalt  }
0x67: {  	_ =	shalt  }
0x68: {  	_ =	shalt  }
0x69: {  	_ =	shalt  }
0x6a: {  	_ =	shalt  }
0x6b: {  	_ =	shalt  }
0x6c: {  	_ =	shalt  }
0x6d: {  	_ =	shalt  }
0x6e: {  	_ =	shalt  }
0x6f: {  	_ =	shalt  }
0x70: {  	_ =	shalt  }
0x71: {  	_ =	shalt  }
0x72: {  	_ =	shalt  }
0x73: {  	_ =	shalt  }
0x74: {  	_ =	shalt  }
0x75: {  	_ =	shalt  }
0x76: {  	_ =	shalt  }
0x77: {  	_ =	shalt  }
0x78: {  	_ =	shalt  }
0x79: {  	_ =	shalt  }
0x7a: {  	_ =	shalt  }
0x7b: {  	_ =	shalt  }
0x7c: {  	_ =	shalt  }
0x7d: {  	_ =	shalt  }
0x7e: {  	_ =	shalt  }
0x7f: {  	_ =	shalt  }
0x80: {  	_ =	shalt  }
0x81: {  	_ =	shalt  }
0x82: {  	_ =	shalt  }
0x83: {  	_ =	shalt  }
0x84: {  	_ =	shalt  }
0x85: {  	_ =	shalt  }
0x86: {  	_ =	shalt  }
0x87: {  	_ =	shalt  }
.Lfunc_end0:
.L_simem_size_0:
called_computation_lowered:
.L_overlay_start_0:
0x88: {  	s2 =	sld [smem:$0x3FD9]  }
0x89: {  	s3 =	sld [smem:$0x3FFE];
	_ =	sdelay $0x1  }
0x8a: {  	s1 =	srdreg.scid  }
0x8b: {  	s0 =	sand.u32 $0x1, s1  }
0x8c: {  	s16 =	sshll.u32 s0, $0xA;
	s2 =	sadd.s32 s3, s2  }
0x8d: {  	s2 =	sadd.s32 s2, s16  }
0x8e: {  	[smem:$0x3FBE] =	sst s2  }
0x8f: {  	_ = 	snop  }
0x90: {  	(tm) =	ssettm $0x1  }
0x91: {  	s17 =	sld [smem:$0x3FFB];
	_ =	sdelay $0x3  }
0x92: {  	_ =	strace s17  }
0x93: {  	s2 =	sld [smem:$0x3FFC];
	_ =	sdelay $0x3  }
0x94: {  	_ =	strace s2  }
0x95: {  	s2 =	sld [smem:$0x3FFD];
	_ =	sdelay $0x3  }
0x96: {  	_ =	strace s2  }
0x97: {  	_ =	strace $0x8FFFFFFF  }
0x98: {  	s18 =	sld [smem:$0x3FDB];
	_ =	sdelay $0x1  }
0x99: {  	s19 =	simm.s32 $_scs_section_size  }
0x9a: {  	s4 =	simm.s32 $_size__tile_overlayer_lowered;
	s5 =	simm.s32 $_tile_overlayer_lowered  }
0x9b: {  	s22 =	simm.s32 $0x1BFF;
	s21 =	sshll.u32 s5, $0x1;
	s2 =	sadd.s32 s19, s18  }
0x9c: {  	s6 =	simm.s32 $0x0;
	s20 =	sshll.u32 s4, $0x1;
	s4 =	sadd.s32 s21, s2  }
0x9d: {  	[timem:s6], [sflag:s22] =	dma.local [hbm:s4], s20  }
0x9e: {  	_ =	swait.ge [sflag:s22], s20  }
0x9f: {  	s3 =	ssub.s32 $0x0, s20;
	[sflag:s22] =	ssyncset.done $0x0  }
0xa0: {  	[sflag:s22] =	ssyncadd.s32 s3;
	_ =	sdelay $0x1  }
0xa1: {  	s23 =	simm.s32 $0x1B8B  }
0xa2: {  	_ =	swait.ge [sflag:s23], $0x1  }
0xa3: {  	[sflag:s23] =	ssyncset.done $0x0  }
0xa4: {  	s25 =	simm.s32 $0x1B8E;
	s24 =	sld [smem:$0x3FFE];
	[sflag:s23] =	ssyncadd.s32 $0xFFFFFFFF  }
0xa5: {  	s26 =	simm.s32 $execute0_lowered;
	[smem:$0x3FD2] =	sst s25  }
0xa6: {  	s4 =	sshll.u32 s26, $0x1;
	_ =	strace $0x80000046;
	[dreg:$0x1] =	wrdreg $0xFFFFFFFF  }
0xa7: {  	s28 =	simm.s32 $_size_execute0_lowered;
	s2 =	sadd.s32 s2, s4;
	[dreg:$0x0] =	wrdreg $0x0  }
0xa8: {  	s4 =	sshll.u32 s28, $0x1;
	[dreg:$0x2] =	wrdreg s2  }
0xa9: {  	[dreg:$0x3] =	wrdreg s4  }
0xaa: {  	[dreg:$0x4] =	wrdreg $0xC0  }
0xab: {  	_ =	task [dreg:s6], $0x5FFFF  }
0xac: {  	[dreg:$0x1] =	wrdreg $0xFFFFFFFF  }
0xad: {  	[dreg:$0x0] =	wrdreg $0x60  }
0xae: {  	[dreg:$0x2] =	wrdreg s24  }
0xaf: {  	[dreg:$0x3] =	wrdreg $0x9  }
0xb0: {  	_ =	task.clear_ibuf [dreg:s6], $0x4FFFF;
	_ =	strace $0x90000046  }
0xb1: {  	s29 =	simm.s32 $0x9;
	_ =	strace $0x80000048  }
0xb2: {  	_ =	swait.ge [sflag:s29], $0x1  }
0xb3: {  	[sflag:s29] =	ssyncadd.s32 $0xFFFFFFFF  }
0xb4: {  	_ =	strace $0x90000048  }
0xb5: {  	_ =	sfence  }
0xb6: {  	s30 =	sld [smem:$0x0];
	_ =	sdelay $0x2  }
0xb7: {  	s31 =	sshll.u32 s1, $0xD;
	s1 =	sshrl.u32 s1, $0x2  }
0xb8: {  	s3 =	sand.u32 $0x4000, s31;
	s1 =	sadd.s32 s1, s30  }
0xb9: {  	s0 =	sor.u32 s3, s0;
	s1 =	sshll.u32 s1, $0x11  }
0xba: {  	s0 =	sor.u32 s1, s0  }
0xbb: {  	s0 =	sadd.s32 $0x8F2B, s0  }
0xbc: {  	[sflag:s0] =	ssyncadd.remote.s32 $0x1  }
0xbd: {  	_ =	sfence.sel $0xFFFF  }
0xbe: {  	[dreg:$0x0] =	wrdreg $0xFFFFFFFF;
	(pc) =	sbr.abs _section_cstart, $3  }
0xbf: {  	[dreg:$0x1] =	wrdreg $0xFFFFFFFF  }
0xc0: {  	_ =	task.clear_ibuf [dreg:s6], $0x2FFFF;
	_ =	strace $0x9FFFFFFF  }
0xc1: {  	(tm) =	ssettm $0x7FFFFFFF  }
tec
execute0_lowered:
.L_overlay_start_1:
0x0: {  	(tag) =	ssettag $0x1  }
0x1: {  	s1 =	srdreg.scid  }
0x2: {  	s0 =	stileid.u32;
	s3 =	rddreg [dreg:$0x0];
	s8 =	simm.s32 $0x80  }
0x3: {  	s9 =	simm.s32 $0x400;
	s10 =	simm.s32 $0x0;
	s4 =	sand.u32 $0x1, s1  }
0x4: {  	s2 =	sshll.u32 s0, $0x1;
	s1 =	rddreg [dreg:$0x1];
	s6 =	sshrl.u32 s0, $0x2  }
0x5: {  	s5 =	sor.u32 s4, s2;
	s2 =	simm.s32 $0x0;
	s6 =	smul.u32 $0x14000, s6  }
0x6: {  	s4 =	ssub.s32 $0x2, s4;
	s7 =	sshll.u32 s5, $0x7;
	[smem:$0x7FF] =	sst s2  }
0x7: {  	s5 =	smul.u32 $0x2C00, s5;
	s30 =	sshrl.u32 s4, $0x1;
	s7 =	sand.u32 $0x380, s7  }
0x8: {  	_ =	strace $0x80000047;
	s31 =	ssub.s32 s4, s30;
	s6 =	sor.u32 s6, s7  }
0x9: {  	s5 =	sshrl.u32 s5, $0x3;
	s7 =	simm.s32 $0x2C00;
	s6 =	sshrl.u32 s6, $0x3  }
0xa: {  	s6 =	sadd.s32 s6, s3;
	s3 =	sadd.s32 s3, s5;
	s5 =	smax.u32 s31, $0x1  }
0xb: {  	v0 =	vimm.f32 $0.0e+00;
	v1 =	vimm.f32 $1.000000000e+00;
	s3 =	sadd.s32 $0xDE00, s3;
	s4 =	sadd.s32 $0x18E00, s6;
	s6 =	simm.s32 $0x1  }
.LBB2_1:
0xc: {  	[tilespmem:s2], [sflag:$0x1] =	stream.linear.gather [hbm4b:s3+s2], $0x2A00, $0x38;
	[tilespmem:$0x5400] =	vst v63  }
0xd: {  	_ =	swait.ge [sflag:s6], $0x2A00  }
0xe: {  	[sflag:s6] =	ssyncset.done $0x0  }
0xf: {  	s11 =	simm.s32 $0x0;
	s12 =	simm.s32 $0x200;
	[sflag:s6] =	ssyncadd.s32 $0xFFFFD600  }
.LBB2_2:
0x10: {  	p0 =	sne.s32 s12, $0x9E00;
	[tilespmem:s11+$0x2C70] =	vst v0  }
0x11: {  	[tilespmem:s11+$0x2C00] =	vst v0  }
0x12: {  	[tilespmem:s11+$0x2C10] =	vst v0  }
.Ltmp0:
0x13: {  	[tilespmem:s11+$0x2C20] =	vst v0;
	(pc) =	sbr.rel @p0 .LBB2_2-.Ltmp0, $4  }
0x14: {  	[tilespmem:s11+$0x2C30] =	vst v0  }
0x15: {  	[tilespmem:s11+$0x2C40] =	vst v0  }
0x16: {  	[tilespmem:s11+$0x2C50] =	vst v0  }
0x17: {  	[tilespmem:s11+$0x2C60] =	vst v0;
	s11 =	sshra.s32 s12, $0x2;
	s12 =	sadd.s32 $0x200, s12  }
0x18: {  	[tilespmem:s11+$0x2C70] =	vst v0  }
0x19: {  	[tilespmem:s11+$0x2C00] =	vst v0  }
0x1a: {  	[tilespmem:s11+$0x2C10] =	vst v0  }
0x1b: {  	[tilespmem:s11+$0x2C20] =	vst v0  }
0x1c: {  	[tilespmem:s11+$0x2C30] =	vst v0  }
0x1d: {  	[tilespmem:s11+$0x2C40] =	vst v0  }
0x1e: {  	[tilespmem:s11+$0x2C50] =	vst v0  }
0x1f: {  	[tilespmem:s11+$0x2C60] =	vst v0;
	s11 =	simm.s32 $0x0  }
.LBB2_4:
0x20: {  	s12 =	sshra.s32 s11, $0x2  }
0x21: {  	v2 =	vld [tilespmem:s12+$0x0];
	_ =	sdelay $0x7  }
0x22: {  	[tilespmem:v2+s7+$0x0] =	vst.idx.add.f32.msk $0xffff, v1  }
0x23: {  	v2 =	vld [tilespmem:s12+$0x10];
	_ =	sdelay $0x7  }
0x24: {  	[tilespmem:v2+s7+$0x0] =	vst.idx.add.f32.msk $0xffff, v1  }
0x25: {  	v2 =	vld [tilespmem:s12+$0x20];
	_ =	sdelay $0x7  }
0x26: {  	[tilespmem:v2+s7+$0x0] =	vst.idx.add.f32.msk $0xffff, v1  }
0x27: {  	v2 =	vld [tilespmem:s12+$0x30];
	_ =	sdelay $0x7  }
0x28: {  	[tilespmem:v2+s7+$0x0] =	vst.idx.add.f32.msk $0xffff, v1  }
0x29: {  	v2 =	vld [tilespmem:s12+$0x40];
	_ =	sdelay $0x7  }
0x2a: {  	[tilespmem:v2+s7+$0x0] =	vst.idx.add.f32.msk $0xffff, v1  }
0x2b: {  	v2 =	vld [tilespmem:s12+$0x50];
	_ =	sdelay $0x7  }
0x2c: {  	[tilespmem:v2+s7+$0x0] =	vst.idx.add.f32.msk $0xffff, v1  }
0x2d: {  	v2 =	vld [tilespmem:s12+$0x60];
	_ =	sdelay $0x7  }
0x2e: {  	[tilespmem:v2+s7+$0x0] =	vst.idx.add.f32.msk $0xffff, v1  }
0x2f: {  	v2 =	vld [tilespmem:s12+$0x70];
	_ =	sdelay $0x2  }
0x30: {  	p0 =	sne.s32 s11, $0xA600  }
.Ltmp1:
0x31: {  	_ = 	snop;
	(pc) =	sbr.rel @p0 .LBB2_4-.Ltmp1, $2  }
0x32: {  	_ =	sdelay $0x2  }
0x33: {  	s11 =	sadd.s32 $0x200, s11;
	[tilespmem:v2+s7+$0x0] =	vst.idx.add.f32.msk $0xffff, v1  }
0x34: {  	s10 =	sadd.s32 $0x1, s10  }
0x35: {  	p0 =	sne.s32 s10, s5  }
.Ltmp2:
0x36: {  	_ = 	snop;
	(pc) =	sbr.rel @p0 .LBB2_1-.Ltmp2, $4  }
0x37: {  	[hbm4b:s4+s8] =	stream.strided.scatter [tilespmem:s7], [sflag:$0x1], $0x2800, s9, s8, $0x38;
	[tilespmem:$0x5400] =	vst v63  }
0x38: {  	_ =	swait.ge [sflag:s6], $0x2800  }
0x39: {  	[sflag:s6] =	ssyncset.done $0x0  }
0x3a: {  	[sflag:s6] =	ssyncadd.s32 $0xFFFFD800  }
0x3b: {  	_ =	sfence.sel $0x180000  }
0x3c: {  	[bflag:$0x0] =	sbarrier.arrive $0xFFFF  }
0x3d: {  	p0 =	sne.s32 s0, $0x0;
	_ =	strace $0x90000047  }
0x3e: {  	s0 =	sadd.s32 @!p0 $0x100000, s1;
	[bflag:$0x2] =	sbarrier.arrive $0xFFFF  }
0x3f: {  	[sflag:s0] =	ssyncadd.tile.s32 @!p0 $0x1;
	_ =	shalt  }
.Lfunc_end2:
_tile_overlayer_lowered:
.L_overlay_start_2:
0x40: {  	(tag) =	ssettag $0x2  }
0x41: {  	s0 =	rddreg [dreg:$0x0];
	s2 =	stileid.u32  }
0x42: {  	s1 =	rddreg [dreg:$0x1];
	p0 =	sne.s32 s2, $0x0  }
0x43: {  	s3 =	rddreg [dreg:$0x2];
	[bflag:$0x3] =	sbarrier.arrive $0xFFFF;
	s2 =	simm.s32 @!p0 $0x1C01  }
0x44: {  	[timem:s3], [sflag:s2] =	dma.local @!p0 [hbm:s0], s1  }
0x45: {  	s0 =	simm.s32 @!p0 $0x1  }
0x46: {  	_ =	swait.ge @!p0 [sflag:s0], s1  }
0x47: {  	s1 =	ssub.s32 @!p0 $0x0, s1;
	[sflag:s0] =	ssyncset.done @!p0 $0x0  }
0x48: {  	[sflag:s0] =	ssyncadd.s32 @!p0 s1  }
0x49: {  	[bflag:$0x3] =	sbarrier.arrive $0xFFFF  }
0x4a: {  	_ =	shalt  }

</sc_bundles>
